<compile_context>
chip_gen: v7x
topology: tpu7x:2x2x1
jax: 0.10.2.dev20260603
libtpu: 0.0.44.dev20260713+nightly
codegen_flags: <defaults>
</compile_context>

<pallas_src>
import functools

import jax
import jax.numpy as jnp
from jax import lax
from jax.experimental import pallas as pl
from jax.experimental.pallas import tpu as pltpu
from jax.experimental.pallas import tpu_sc as plsc

E = 8
K = 2
D = 1024
H = 1024
T = 2048
TK = T * K
BK = 256
R = 6144
NB = R // BK

NC = 2
NS = 16
NW = NC * NS



_PC = 128
_PNC = TK // _PC


def _router_body(x_ref, rw_ref, pos_ref, be_ref, g1_ref, g2_ref, oh_s):
    x = x_ref[...]
    rw = rw_ref[...]
    logits = lax.dot_general(rw, x, (((1,), (1,)), ((), ())),
                             preferred_element_type=jnp.float32)
    erange = lax.broadcasted_iota(jnp.int32, (E, T), 0)
    i1 = jnp.argmax(logits, axis=0).astype(jnp.int32)
    m1 = jnp.max(logits, axis=0)
    masked = jnp.where(erange == i1[None, :], -jnp.inf, logits)
    i2 = jnp.argmax(masked, axis=0).astype(jnp.int32)
    m2 = jnp.max(masked, axis=0)
    g1 = 1.0 / (1.0 + jnp.exp(m2 - m1))
    g1_ref[...] = g1
    g2_ref[...] = 1.0 - g1

    oh1 = (erange == i1[None, :]).astype(jnp.float32)
    oh2 = (erange == i2[None, :]).astype(jnp.float32)
    oh_s[...] = jnp.concatenate([oh1, oh2], axis=1)

    counts = jnp.sum(oh1, axis=1) + jnp.sum(oh2, axis=1)
    padded = jnp.ceil(counts * (1.0 / BK)) * BK
    eia = lax.broadcasted_iota(jnp.int32, (E, E), 0)
    eib = lax.broadcasted_iota(jnp.int32, (E, E), 1)
    u8 = (eia <= eib).astype(jnp.float32)
    seg_end = lax.dot_general(padded.reshape(1, E), u8,
                              (((1,), (0,)), ((), ())),
                              preferred_element_type=jnp.float32).reshape(E)
    seg_start = seg_end - padded

    bia = lax.broadcasted_iota(jnp.int32, (_PC, _PC), 0)
    bib = lax.broadcasted_iota(jnp.int32, (_PC, _PC), 1)
    u128 = (bia <= bib).astype(jnp.float32)
    seg_start_b = jnp.broadcast_to(seg_start[:, None], (E, _PC))

    def chunk(c, run):
        ohc = oh_s[:, pl.ds(c * _PC, _PC)]
        csum = lax.dot_general(ohc, u128, (((1,), (0,)), ((), ())),
                               preferred_element_type=jnp.float32)
        csum = csum + run[:, None]
        posv = jnp.sum(ohc * (seg_start_b + csum), axis=0) - 1.0
        pos_ref[pl.ds(c * _PC, _PC)] = posv.astype(jnp.int32)
        return run + jnp.sum(ohc, axis=1)

    lax.fori_loop(0, _PNC, chunk, jnp.zeros((E,), jnp.float32))

    bvals = lax.broadcasted_iota(jnp.int32, (E, NB), 1).astype(jnp.float32) * float(BK)
    seg_end_b = jnp.broadcast_to(seg_end[:, None], (E, NB))
    be = jnp.sum((seg_end_b <= bvals).astype(jnp.int32), axis=0)
    be_ref[...] = jnp.minimum(be, E - 1)


def _router(x, router_w):
    return pl.pallas_call(
        _router_body,
        out_shape=(
            jax.ShapeDtypeStruct((TK,), jnp.int32),
            jax.ShapeDtypeStruct((NB,), jnp.int32),
            jax.ShapeDtypeStruct((T,), jnp.float32),
            jax.ShapeDtypeStruct((T,), jnp.float32),
        ),
        scratch_shapes=[pltpu.VMEM((E, TK), jnp.float32)],
    )(x, router_w)



_XTW = T // NW
_XCH = 32
_XNC = _XTW // _XCH


def _dispatch_body(x_hbm, p0_hbm, p1_hbm, xs_hbm, i0_v, i1_v, buf0_v, buf1_v,
                   g0, g1, s0, s1):
    wid = lax.axis_index("s") * NC + lax.axis_index("c")
    base = wid * _XTW
    pltpu.sync_copy(p0_hbm.at[pl.ds(wid * _XNC, _XNC)], i0_v)
    pltpu.sync_copy(p1_hbm.at[pl.ds(wid * _XNC, _XNC)], i1_v)
    bufs = (buf0_v, buf1_v)
    gsem = (g0, g1)
    ssem = (s0, s1)
    rd = [pltpu.make_async_copy(x_hbm.at[pl.ds(base + j * _XCH, _XCH)],
                                bufs[j], gsem[j])
          for j in range(_XNC)]
    w0 = [pltpu.make_async_copy(bufs[j], xs_hbm.at[i0_v.at[j]], ssem[j])
          for j in range(_XNC)]
    w1 = [pltpu.make_async_copy(bufs[j], xs_hbm.at[i1_v.at[j]], ssem[j])
          for j in range(_XNC)]
    for j in range(_XNC):
        rd[j].start()
    for j in range(_XNC):
        rd[j].wait()
        w0[j].start()
        w1[j].start()
    for j in range(_XNC):
        w0[j].wait()
        w1[j].wait()


def _dispatch(x, p0, p1):
    mesh = plsc.VectorSubcoreMesh(core_axis_name="c", subcore_axis_name="s")
    return pl.kernel(
        _dispatch_body,
        out_type=jax.ShapeDtypeStruct((R, D), jnp.float32),
        mesh=mesh,
        scratch_types=[
            pltpu.VMEM((_XNC, _XCH), jnp.int32),
            pltpu.VMEM((_XNC, _XCH), jnp.int32),
            pltpu.VMEM((_XCH, D), jnp.float32),
            pltpu.VMEM((_XCH, D), jnp.float32),
            pltpu.SemaphoreType.DMA,
            pltpu.SemaphoreType.DMA,
            pltpu.SemaphoreType.DMA,
            pltpu.SemaphoreType.DMA,
        ],
    )(x, p0, p1)




def _mlp_body(be_ref, x_ref, wi_ref, wo_ref, o_ref):
    x = x_ref[...]
    h = lax.dot_general(x, wi_ref[0], (((1,), (1,)), ((), ())),
                        precision=lax.Precision.DEFAULT,
                        preferred_element_type=jnp.float32)
    left = h[:, :H]
    right = h[:, H:]
    a = left * jax.nn.sigmoid(left) * right
    wo = wo_ref[0]
    y = lax.dot_general(a.astype(jnp.bfloat16), wo, (((1,), (1,)), ((), ())),
                        precision=lax.Precision.DEFAULT,
                        preferred_element_type=jnp.float32)
    o_ref[...] = y


def _mlp(blk_expert, xs, w_in, w_out_bf):
    grid_spec = pltpu.PrefetchScalarGridSpec(
        num_scalar_prefetch=1,
        grid=(NB,),
        in_specs=[
            pl.BlockSpec((BK, D), lambda b, be: (b, 0)),
            pl.BlockSpec((1, 2 * H, D), lambda b, be: (be[b], 0, 0)),
            pl.BlockSpec((1, D, H), lambda b, be: (be[b], 0, 0)),
        ],
        out_specs=pl.BlockSpec((BK, D), lambda b, be: (b, 0)),
    )
    return pl.pallas_call(
        _mlp_body,
        grid_spec=grid_spec,
        out_shape=jax.ShapeDtypeStruct((R, D), jnp.float32),
    )(blk_expert, xs, w_in, w_out_bf)



_TPW = T // NW
_CCH = 16
_CNC = _TPW // _CCH


def _combine_body(ys_hbm, p0_hbm, p1_hbm, g0b_hbm, g1b_hbm, out_hbm, i0_v, i1_v,
                  g0v, g1v, a0_v, b0_v, a1_v, b1_v, g0, g1, s0, s1):
    wid = lax.axis_index("s") * NC + lax.axis_index("c")
    base = wid * _TPW
    pltpu.sync_copy(p0_hbm.at[pl.ds(wid * _CNC, _CNC)], i0_v)
    pltpu.sync_copy(p1_hbm.at[pl.ds(wid * _CNC, _CNC)], i1_v)
    pltpu.sync_copy(g0b_hbm.at[pl.ds(base, _TPW)], g0v)
    pltpu.sync_copy(g1b_hbm.at[pl.ds(base, _TPW)], g1v)
    av = (a0_v, a1_v)
    bv = (b0_v, b1_v)
    gsem = (g0, g1)
    ssem = (s0, s1)
    ga = [pltpu.make_async_copy(ys_hbm.at[i0_v.at[j]], av[j & 1], gsem[j & 1])
          for j in range(_CNC)]
    gb = [pltpu.make_async_copy(ys_hbm.at[i1_v.at[j]], bv[j & 1], gsem[j & 1])
          for j in range(_CNC)]
    scp = [pltpu.make_async_copy(av[j & 1],
                                 out_hbm.at[pl.ds(base + j * _CCH, _CCH)],
                                 ssem[j & 1])
           for j in range(_CNC)]
    ga[0].start()
    gb[0].start()
    for j in range(_CNC):
        if j + 1 < _CNC:
            if j >= 1:
                scp[j - 1].wait()
            ga[j + 1].start()
            gb[j + 1].start()
        ga[j].wait()
        gb[j].wait()
        a_v = av[j & 1]
        b_v = bv[j & 1]

        jj = j * _CCH

        @plsc.parallel_loop(0, _CCH * D, 16, unroll=8)
        def _add(f):
            row = lax.shift_right_logical(f, 10)
            col = pl.multiple_of(lax.bitwise_and(f, D - 1), 16)
            sl = pl.ds(col, 16)
            tr = jj + row
            a_v[row, sl] = (a_v[row, sl] * g0v[tr, :]
                            + b_v[row, sl] * g1v[tr, :])

        scp[j].start()
    scp[_CNC - 2].wait()
    scp[_CNC - 1].wait()


def _combine(ys, p0, p1, g0b, g1b):
    mesh = plsc.VectorSubcoreMesh(core_axis_name="c", subcore_axis_name="s")
    return pl.kernel(
        _combine_body,
        out_type=jax.ShapeDtypeStruct((T, D), jnp.float32),
        mesh=mesh,
        scratch_types=[
            pltpu.VMEM((_CNC, _CCH), jnp.int32),
            pltpu.VMEM((_CNC, _CCH), jnp.int32),
            pltpu.VMEM((_TPW, 16), jnp.float32),
            pltpu.VMEM((_TPW, 16), jnp.float32),
            pltpu.VMEM((_CCH, D), jnp.float32),
            pltpu.VMEM((_CCH, D), jnp.float32),
            pltpu.VMEM((_CCH, D), jnp.float32),
            pltpu.VMEM((_CCH, D), jnp.float32),
            pltpu.SemaphoreType.DMA,
            pltpu.SemaphoreType.DMA,
            pltpu.SemaphoreType.DMA,
            pltpu.SemaphoreType.DMA,
        ],
    )(ys, p0, p1, g0b, g1b)




def kernel(layer_input, router_w, w_in, w_out):
    x = layer_input.reshape(T, D)
    pos, blk_expert, g1, g2 = _router(x, router_w)
    p0 = pos[:T]
    p1 = pos[T:]
    g0b = jnp.broadcast_to(g1[:, None], (T, 16))
    g1b = jnp.broadcast_to(g2[:, None], (T, 16))

    xs = _dispatch(x, p0.reshape(NW * _XNC, _XCH), p1.reshape(NW * _XNC, _XCH))
    ys = _mlp(blk_expert, xs, w_in, w_out.astype(jnp.bfloat16))
    out = _combine(ys, p0.reshape(NW * _CNC, _CCH), p1.reshape(NW * _CNC, _CCH),
                   g0b, g1b)
    return out.reshape(1, T, D)

# --- scband reference (transcript-rebuilt; emitter-appended) ---
"""Pipeline reference for scband-jet-moe-native-epwrapper-41987600286209 (READ-ONLY COPY).

The authoritative reference and input builder live on the scoring server;
editing this copy changes nothing except your own understanding.
"""

import jax, jax.numpy as jnp
import numpy as np

NUM_EXPERTS = 8
TOP_K = 2
D_MODEL = 1024
HIDDEN = 1024
B = 1
S = 2048


def setup_inputs(seed: int = 0) -> dict:
    key = jax.random.key(seed)
    k1, k2, k3, k4 = jax.random.split(key, 4)
    layer_input = jax.random.normal(k1, (B, S, D_MODEL), dtype=jnp.float32)
    # router.layer.weight: [num_experts, input_size]
    router_w = jax.random.normal(k2, (NUM_EXPERTS, D_MODEL), dtype=jnp.float32) * 0.02
    # input_linear.weight: [num_experts, hidden*2, input]
    w_in = jax.random.normal(k3, (NUM_EXPERTS, 2 * HIDDEN, D_MODEL), dtype=jnp.float32) * 0.02
    # output_linear.weight: [num_experts, input, hidden]
    w_out = jax.random.normal(k4, (NUM_EXPERTS, D_MODEL, HIDDEN), dtype=jnp.float32) * 0.02
    return {"layer_input": layer_input, "router_w": router_w, "w_in": w_in, "w_out": w_out}


def reference(layer_input, router_w, w_in, w_out):
    # Single-device equivalent of the EP-wrapped JetMoE MoE layer: the
    # all-to-all dispatch/combine across ranks reduces mathematically to
    # gather tokens per expert -> gated-SiLU expert MLP -> gate-weighted
    # scatter-add back to token positions.
    Bv, Sv, D = layer_input.shape
    x = layer_input.reshape(-1, D)
    # router: top-k over expert logits, softmax gates over the selected logits
    logits = x @ router_w.T
    top_vals, top_idx = jax.lax.top_k(logits, TOP_K)
    gates = jax.nn.softmax(top_vals, axis=-1)
    out = jnp.zeros_like(x)
    for e in range(NUM_EXPERTS):
        # per-token gate for expert e: top-k indices are distinct, so at most
        # one slot matches and the sum recovers exactly the selected gate or 0
        ge = jnp.sum(jnp.where(top_idx == e, gates, jnp.zeros_like(gates)), axis=-1)
        h = x @ w_in[e].T                 # [T, 2H]
        left, right = jnp.split(h, 2, axis=-1)
        a = jax.nn.silu(left) * right     # gated activation (act(left) * right)
        ye = a @ w_out[e].T               # [T, D]
        out = out + ye * ge[:, None]      # combine (masked add)
    return out.reshape(Bv, Sv, D)

if __name__ == "__main__":
    import jax
    _d = setup_inputs()
    print(jax.jit(kernel)(*tuple(_d.values())))

</pallas_src>

<mosaic_0001>
#map = affine_map<(d0, d1) -> (0, 0)>
module attributes {stable_mosaic.version = 14 : i64} {
  func.func @_combine_body(%arg0: i32, %arg1: i32, %arg2: memref<6144x1024xf32, #tpu.memory_space<hbm>>, %arg3: memref<128x16xi32, #tpu.memory_space<hbm>>, %arg4: memref<128x16xi32, #tpu.memory_space<hbm>>, %arg5: memref<2048x16xf32, #tpu.memory_space<hbm>>, %arg6: memref<2048x16xf32, #tpu.memory_space<hbm>>, %arg7: memref<2048x1024xf32, #tpu.memory_space<hbm>>, %arg8: memref<4x16xi32, #tpu.memory_space<vmem>>, %arg9: memref<4x16xi32, #tpu.memory_space<vmem>>, %arg10: memref<64x16xf32, #tpu.memory_space<vmem>>, %arg11: memref<64x16xf32, #tpu.memory_space<vmem>>, %arg12: memref<16x1024xf32, #tpu.memory_space<vmem>>, %arg13: memref<16x1024xf32, #tpu.memory_space<vmem>>, %arg14: memref<16x1024xf32, #tpu.memory_space<vmem>>, %arg15: memref<16x1024xf32, #tpu.memory_space<vmem>>, %arg16: memref<!tpu.dma_semaphore, #tpu.memory_space<semaphore_mem>>, %arg17: memref<!tpu.dma_semaphore, #tpu.memory_space<semaphore_mem>>, %arg18: memref<!tpu.dma_semaphore, #tpu.memory_space<semaphore_mem>>, %arg19: memref<!tpu.dma_semaphore, #tpu.memory_space<semaphore_mem>>) attributes {dimension_semantics = [#tpu.dimension_semantics<core_parallel>, #tpu.dimension_semantics<subcore_parallel>], iteration_bounds = array<i64: 2, 16>, scalar_prefetch = 0 : i64, scratch_operands = 12 : i64, tpu.core_type = #tpu.core_type<sc_vector_subcore>, window_params = [{transform_indices = #map}, {transform_indices = #map}, {transform_indices = #map}, {transform_indices = #map}, {transform_indices = #map}, {transform_indices = #map}]} {
    %mul3A = arith.constant 2 : i32
    %mul3A_0 = arith.muli %arg1, %mul3A : i32
    %add3A = arith.addi %mul3A_0, %arg0 : i32
    %mul3A_1 = arith.constant 64 : i32
    %mul3A_2 = arith.muli %add3A, %mul3A_1 : i32
    %mul3A_3 = arith.constant 4 : i32
    %mul3A_4 = arith.muli %add3A, %mul3A_3 : i32
    "tpu.region"() ({
      %run_scoped3A = tpu.sem_alloc : memref<!tpu.dma_semaphore, #tpu.memory_space<semaphore_mem>>
      %dma_start3A_168 = arith.constant 0 : i32
      %dma_start3A_169 = tpu.memref_slice %arg3[%mul3A_4, %dma_start3A_168] : memref<128x16xi32, #tpu.memory_space<hbm>> -> memref<4x16xi32, #tpu.memory_space<hbm>>
      %dma_start3A_170 = arith.constant 0 : i32
      %dma_start3A_171 = tpu.memref_slice %arg3[%mul3A_4, %dma_start3A_170] : memref<128x16xi32, #tpu.memory_space<hbm>> -> memref<4x16xi32, #tpu.memory_space<hbm>>
      tpu.enqueue_dma source(%dma_start3A_171 : memref<4x16xi32, #tpu.memory_space<hbm>>) target(%arg8 : memref<4x16xi32, #tpu.memory_space<vmem>>) target_semaphore(%run_scoped3A : memref<!tpu.dma_semaphore, #tpu.memory_space<semaphore_mem>>)
      %dma_wait3A_172 = arith.constant 0 : i32
      %dma_wait3A_173 = tpu.memref_slice %arg3[%mul3A_4, %dma_wait3A_172] : memref<128x16xi32, #tpu.memory_space<hbm>> -> memref<4x16xi32, #tpu.memory_space<hbm>>
      %dma_wait3A_174 = arith.constant 0 : i32
      %dma_wait3A_175 = tpu.memref_slice %arg3[%mul3A_4, %dma_wait3A_174] : memref<128x16xi32, #tpu.memory_space<hbm>> -> memref<4x16xi32, #tpu.memory_space<hbm>>
      tpu.wait_dma2 semaphore(%run_scoped3A : memref<!tpu.dma_semaphore, #tpu.memory_space<semaphore_mem>>) src(%dma_wait3A_175 : memref<4x16xi32, #tpu.memory_space<hbm>>) dst(%arg8 : memref<4x16xi32, #tpu.memory_space<vmem>>)
      tpu.yield
    }) : () -> ()
    %mul3A_5 = arith.constant 4 : i32
    %mul3A_6 = arith.muli %add3A, %mul3A_5 : i32
    "tpu.region"() ({
      %run_scoped3A = tpu.sem_alloc : memref<!tpu.dma_semaphore, #tpu.memory_space<semaphore_mem>>
      %dma_start3A_168 = arith.constant 0 : i32
      %dma_start3A_169 = tpu.memref_slice %arg4[%mul3A_6, %dma_start3A_168] : memref<128x16xi32, #tpu.memory_space<hbm>> -> memref<4x16xi32, #tpu.memory_space<hbm>>
      %dma_start3A_170 = arith.constant 0 : i32
      %dma_start3A_171 = tpu.memref_slice %arg4[%mul3A_6, %dma_start3A_170] : memref<128x16xi32, #tpu.memory_space<hbm>> -> memref<4x16xi32, #tpu.memory_space<hbm>>
      tpu.enqueue_dma source(%dma_start3A_171 : memref<4x16xi32, #tpu.memory_space<hbm>>) target(%arg9 : memref<4x16xi32, #tpu.memory_space<vmem>>) target_semaphore(%run_scoped3A : memref<!tpu.dma_semaphore, #tpu.memory_space<semaphore_mem>>)
      %dma_wait3A_172 = arith.constant 0 : i32
      %dma_wait3A_173 = tpu.memref_slice %arg4[%mul3A_6, %dma_wait3A_172] : memref<128x16xi32, #tpu.memory_space<hbm>> -> memref<4x16xi32, #tpu.memory_space<hbm>>
      %dma_wait3A_174 = arith.constant 0 : i32
      %dma_wait3A_175 = tpu.memref_slice %arg4[%mul3A_6, %dma_wait3A_174] : memref<128x16xi32, #tpu.memory_space<hbm>> -> memref<4x16xi32, #tpu.memory_space<hbm>>
      tpu.wait_dma2 semaphore(%run_scoped3A : memref<!tpu.dma_semaphore, #tpu.memory_space<semaphore_mem>>) src(%dma_wait3A_175 : memref<4x16xi32, #tpu.memory_space<hbm>>) dst(%arg9 : memref<4x16xi32, #tpu.memory_space<vmem>>)
      tpu.yield
    }) : () -> ()
    "tpu.region"() ({
      %run_scoped3A = tpu.sem_alloc : memref<!tpu.dma_semaphore, #tpu.memory_space<semaphore_mem>>
      %dma_start3A_168 = arith.constant 0 : i32
      %dma_start3A_169 = tpu.memref_slice %arg5[%mul3A_2, %dma_start3A_168] : memref<2048x16xf32, #tpu.memory_space<hbm>> -> memref<64x16xf32, #tpu.memory_space<hbm>>
      %dma_start3A_170 = arith.constant 0 : i32
      %dma_start3A_171 = tpu.memref_slice %arg5[%mul3A_2, %dma_start3A_170] : memref<2048x16xf32, #tpu.memory_space<hbm>> -> memref<64x16xf32, #tpu.memory_space<hbm>>
      tpu.enqueue_dma source(%dma_start3A_171 : memref<64x16xf32, #tpu.memory_space<hbm>>) target(%arg10 : memref<64x16xf32, #tpu.memory_space<vmem>>) target_semaphore(%run_scoped3A : memref<!tpu.dma_semaphore, #tpu.memory_space<semaphore_mem>>)
      %dma_wait3A_172 = arith.constant 0 : i32
      %dma_wait3A_173 = tpu.memref_slice %arg5[%mul3A_2, %dma_wait3A_172] : memref<2048x16xf32, #tpu.memory_space<hbm>> -> memref<64x16xf32, #tpu.memory_space<hbm>>
      %dma_wait3A_174 = arith.constant 0 : i32
      %dma_wait3A_175 = tpu.memref_slice %arg5[%mul3A_2, %dma_wait3A_174] : memref<2048x16xf32, #tpu.memory_space<hbm>> -> memref<64x16xf32, #tpu.memory_space<hbm>>
      tpu.wait_dma2 semaphore(%run_scoped3A : memref<!tpu.dma_semaphore, #tpu.memory_space<semaphore_mem>>) src(%dma_wait3A_175 : memref<64x16xf32, #tpu.memory_space<hbm>>) dst(%arg10 : memref<64x16xf32, #tpu.memory_space<vmem>>)
      tpu.yield
    }) : () -> ()
    "tpu.region"() ({
      %run_scoped3A = tpu.sem_alloc : memref<!tpu.dma_semaphore, #tpu.memory_space<semaphore_mem>>
      %dma_start3A_168 = arith.constant 0 : i32
      %dma_start3A_169 = tpu.memref_slice %arg6[%mul3A_2, %dma_start3A_168] : memref<2048x16xf32, #tpu.memory_space<hbm>> -> memref<64x16xf32, #tpu.memory_space<hbm>>
      %dma_start3A_170 = arith.constant 0 : i32
      %dma_start3A_171 = tpu.memref_slice %arg6[%mul3A_2, %dma_start3A_170] : memref<2048x16xf32, #tpu.memory_space<hbm>> -> memref<64x16xf32, #tpu.memory_space<hbm>>
      tpu.enqueue_dma source(%dma_start3A_171 : memref<64x16xf32, #tpu.memory_space<hbm>>) target(%arg11 : memref<64x16xf32, #tpu.memory_space<vmem>>) target_semaphore(%run_scoped3A : memref<!tpu.dma_semaphore, #tpu.memory_space<semaphore_mem>>)
      %dma_wait3A_172 = arith.constant 0 : i32
      %dma_wait3A_173 = tpu.memref_slice %arg6[%mul3A_2, %dma_wait3A_172] : memref<2048x16xf32, #tpu.memory_space<hbm>> -> memref<64x16xf32, #tpu.memory_space<hbm>>
      %dma_wait3A_174 = arith.constant 0 : i32
      %dma_wait3A_175 = tpu.memref_slice %arg6[%mul3A_2, %dma_wait3A_174] : memref<2048x16xf32, #tpu.memory_space<hbm>> -> memref<64x16xf32, #tpu.memory_space<hbm>>
      tpu.wait_dma2 semaphore(%run_scoped3A : memref<!tpu.dma_semaphore, #tpu.memory_space<semaphore_mem>>) src(%dma_wait3A_175 : memref<64x16xf32, #tpu.memory_space<hbm>>) dst(%arg11 : memref<64x16xf32, #tpu.memory_space<vmem>>)
      tpu.yield
    }) : () -> ()
    %add3A_7 = arith.constant 0 : i32
    %add3A_8 = arith.addi %mul3A_2, %add3A_7 : i32
    %add3A_9 = arith.constant 16 : i32
    %add3A_10 = arith.addi %mul3A_2, %add3A_9 : i32
    %add3A_11 = arith.constant 32 : i32
    %add3A_12 = arith.addi %mul3A_2, %add3A_11 : i32
    %add3A_13 = arith.constant 48 : i32
    %add3A_14 = arith.addi %mul3A_2, %add3A_13 : i32
    %dma_start3A = arith.constant 0 : i32
    %dma_start3A_15 = arith.constant 0 : i32
    %dma_start3A_16 = tpu.memref_slice %arg8[%dma_start3A, %dma_start3A_15] : memref<4x16xi32, #tpu.memory_space<vmem>> -> memref<1x16xi32, #tpu.memory_space<vmem>>
    %dma_start3A_17 = tpu.memref_squeeze %dma_start3A_16 : memref<1x16xi32, #tpu.memory_space<vmem>> -> memref<16xi32, #tpu.memory_space<vmem>>
    %dma_start3A_18 = arith.constant 0 : i32
    %dma_start3A_19 = arith.constant 0 : i32
    %dma_start3A_20 = tpu.memref_slice %arg2[%dma_start3A_18, %dma_start3A_19] : memref<6144x1024xf32, #tpu.memory_space<hbm>> -> memref<6144x1024xf32, #tpu.memory_space<hbm>>
    tpu.enqueue_indirect_dma source(%dma_start3A_20 : memref<6144x1024xf32, #tpu.memory_space<hbm>>) target(%arg12 : memref<16x1024xf32, #tpu.memory_space<vmem>>) offsets(%dma_start3A_17 : memref<16xi32, #tpu.memory_space<vmem>>) semaphore(%arg16 : memref<!tpu.dma_semaphore, #tpu.memory_space<semaphore_mem>>)
    %dma_start3A_21 = arith.constant 0 : i32
    %dma_start3A_22 = arith.constant 0 : i32
    %dma_start3A_23 = tpu.memref_slice %arg9[%dma_start3A_21, %dma_start3A_22] : memref<4x16xi32, #tpu.memory_space<vmem>> -> memref<1x16xi32, #tpu.memory_space<vmem>>
    %dma_start3A_24 = tpu.memref_squeeze %dma_start3A_23 : memref<1x16xi32, #tpu.memory_space<vmem>> -> memref<16xi32, #tpu.memory_space<vmem>>
    %dma_start3A_25 = arith.constant 0 : i32
    %dma_start3A_26 = arith.constant 0 : i32
    %dma_start3A_27 = tpu.memref_slice %arg2[%dma_start3A_25, %dma_start3A_26] : memref<6144x1024xf32, #tpu.memory_space<hbm>> -> memref<6144x1024xf32, #tpu.memory_space<hbm>>
    tpu.enqueue_indirect_dma source(%dma_start3A_27 : memref<6144x1024xf32, #tpu.memory_space<hbm>>) target(%arg13 : memref<16x1024xf32, #tpu.memory_space<vmem>>) offsets(%dma_start3A_24 : memref<16xi32, #tpu.memory_space<vmem>>) semaphore(%arg16 : memref<!tpu.dma_semaphore, #tpu.memory_space<semaphore_mem>>)
    %dma_start3A_28 = arith.constant 1 : i32
    %dma_start3A_29 = arith.constant 0 : i32
    %dma_start3A_30 = tpu.memref_slice %arg8[%dma_start3A_28, %dma_start3A_29] : memref<4x16xi32, #tpu.memory_space<vmem>> -> memref<1x16xi32, #tpu.memory_space<vmem>>
    %dma_start3A_31 = tpu.memref_squeeze %dma_start3A_30 : memref<1x16xi32, #tpu.memory_space<vmem>> -> memref<16xi32, #tpu.memory_space<vmem>>
    %dma_start3A_32 = arith.constant 0 : i32
    %dma_start3A_33 = arith.constant 0 : i32
    %dma_start3A_34 = tpu.memref_slice %arg2[%dma_start3A_32, %dma_start3A_33] : memref<6144x1024xf32, #tpu.memory_space<hbm>> -> memref<6144x1024xf32, #tpu.memory_space<hbm>>
    tpu.enqueue_indirect_dma source(%dma_start3A_34 : memref<6144x1024xf32, #tpu.memory_space<hbm>>) target(%arg14 : memref<16x1024xf32, #tpu.memory_space<vmem>>) offsets(%dma_start3A_31 : memref<16xi32, #tpu.memory_space<vmem>>) semaphore(%arg17 : memref<!tpu.dma_semaphore, #tpu.memory_space<semaphore_mem>>)
    %dma_start3A_35 = arith.constant 1 : i32
    %dma_start3A_36 = arith.constant 0 : i32
    %dma_start3A_37 = tpu.memref_slice %arg9[%dma_start3A_35, %dma_start3A_36] : memref<4x16xi32, #tpu.memory_space<vmem>> -> memref<1x16xi32, #tpu.memory_space<vmem>>
    %dma_start3A_38 = tpu.memref_squeeze %dma_start3A_37 : memref<1x16xi32, #tpu.memory_space<vmem>> -> memref<16xi32, #tpu.memory_space<vmem>>
    %dma_start3A_39 = arith.constant 0 : i32
    %dma_start3A_40 = arith.constant 0 : i32
    %dma_start3A_41 = tpu.memref_slice %arg2[%dma_start3A_39, %dma_start3A_40] : memref<6144x1024xf32, #tpu.memory_space<hbm>> -> memref<6144x1024xf32, #tpu.memory_space<hbm>>
    tpu.enqueue_indirect_dma source(%dma_start3A_41 : memref<6144x1024xf32, #tpu.memory_space<hbm>>) target(%arg15 : memref<16x1024xf32, #tpu.memory_space<vmem>>) offsets(%dma_start3A_38 : memref<16xi32, #tpu.memory_space<vmem>>) semaphore(%arg17 : memref<!tpu.dma_semaphore, #tpu.memory_space<semaphore_mem>>)
    %dma_wait3A = arith.constant 0 : i32
    %dma_wait3A_42 = arith.constant 0 : i32
    %dma_wait3A_43 = tpu.memref_slice %arg8[%dma_wait3A, %dma_wait3A_42] : memref<4x16xi32, #tpu.memory_space<vmem>> -> memref<1x16xi32, #tpu.memory_space<vmem>>
    %dma_wait3A_44 = tpu.memref_squeeze %dma_wait3A_43 : memref<1x16xi32, #tpu.memory_space<vmem>> -> memref<16xi32, #tpu.memory_space<vmem>>
    %dma_wait3A_45 = arith.constant 0 : i32
    %dma_wait3A_46 = arith.constant 0 : i32
    %dma_wait3A_47 = tpu.memref_slice %arg2[%dma_wait3A_45, %dma_wait3A_46] : memref<6144x1024xf32, #tpu.memory_space<hbm>> -> memref<6144x1024xf32, #tpu.memory_space<hbm>>
    tpu.wait_indirect_dma semaphore(%arg16 : memref<!tpu.dma_semaphore, #tpu.memory_space<semaphore_mem>>) src(%dma_wait3A_47 : memref<6144x1024xf32, #tpu.memory_space<hbm>>) dst(%arg12 : memref<16x1024xf32, #tpu.memory_space<vmem>>)
    %dma_wait3A_48 = arith.constant 0 : i32
    %dma_wait3A_49 = arith.constant 0 : i32
    %dma_wait3A_50 = tpu.memref_slice %arg9[%dma_wait3A_48, %dma_wait3A_49] : memref<4x16xi32, #tpu.memory_space<vmem>> -> memref<1x16xi32, #tpu.memory_space<vmem>>
    %dma_wait3A_51 = tpu.memref_squeeze %dma_wait3A_50 : memref<1x16xi32, #tpu.memory_space<vmem>> -> memref<16xi32, #tpu.memory_space<vmem>>
    %dma_wait3A_52 = arith.constant 0 : i32
    %dma_wait3A_53 = arith.constant 0 : i32
    %dma_wait3A_54 = tpu.memref_slice %arg2[%dma_wait3A_52, %dma_wait3A_53] : memref<6144x1024xf32, #tpu.memory_space<hbm>> -> memref<6144x1024xf32, #tpu.memory_space<hbm>>
    tpu.wait_indirect_dma semaphore(%arg16 : memref<!tpu.dma_semaphore, #tpu.memory_space<semaphore_mem>>) src(%dma_wait3A_54 : memref<6144x1024xf32, #tpu.memory_space<hbm>>) dst(%arg13 : memref<16x1024xf32, #tpu.memory_space<vmem>>)
    %parallel_loop3A = arith.constant 0 : i32
    %parallel_loop3A_55 = arith.constant 16384 : i32
    %parallel_loop3A_56 = arith.constant 16 : i32
    scf.for %parallel_loop3A_168 = %parallel_loop3A to %parallel_loop3A_55 step %parallel_loop3A_56  : i32 {
      %parallel_loop3A_169 = arith.constant 10 : i32
      %parallel_loop3A_170 = arith.shrui %parallel_loop3A_168, %parallel_loop3A_169 : i32
      %parallel_loop3A_171 = arith.constant 1023 : i32
      %parallel_loop3A_172 = arith.andi %parallel_loop3A_168, %parallel_loop3A_171 : i32
      %parallel_loop3A_173 = tpu.assume_multiple %parallel_loop3A_172, 16 : i32
      %parallel_loop3A_174 = arith.constant 0 : i32
      %parallel_loop3A_175 = arith.addi %parallel_loop3A_174, %parallel_loop3A_170 : i32
      %parallel_loop3A_176 = arith.index_cast %parallel_loop3A_170 : i32 to index
      %parallel_loop3A_177 = arith.index_cast %parallel_loop3A_173 : i32 to index
      %parallel_loop3A_178 = tpu.vector_load %arg12[%parallel_loop3A_176, %parallel_loop3A_177] {strides = array<i32>} : memref<16x1024xf32, #tpu.memory_space<vmem>>, vector<1x16xf32>,
      %parallel_loop3A_179 = vector.shape_cast %parallel_loop3A_178 : vector<1x16xf32> to vector<16xf32>
      %parallel_loop3A_180 = arith.index_cast %parallel_loop3A_175 : i32 to index
      %parallel_loop3A_181 = arith.constant 0 : index
      %parallel_loop3A_182 = tpu.vector_load %arg10[%parallel_loop3A_180, %parallel_loop3A_181] {strides = array<i32>} : memref<64x16xf32, #tpu.memory_space<vmem>>, vector<1x16xf32>,
      %parallel_loop3A_183 = vector.shape_cast %parallel_loop3A_182 : vector<1x16xf32> to vector<16xf32>
      %parallel_loop3A_184 = arith.mulf %parallel_loop3A_179, %parallel_loop3A_183 : vector<16xf32>
      %parallel_loop3A_185 = arith.index_cast %parallel_loop3A_170 : i32 to index
      %parallel_loop3A_186 = arith.index_cast %parallel_loop3A_173 : i32 to index
      %parallel_loop3A_187 = tpu.vector_load %arg13[%parallel_loop3A_185, %parallel_loop3A_186] {strides = array<i32>} : memref<16x1024xf32, #tpu.memory_space<vmem>>, vector<1x16xf32>,
      %parallel_loop3A_188 = vector.shape_cast %parallel_loop3A_187 : vector<1x16xf32> to vector<16xf32>
      %parallel_loop3A_189 = arith.index_cast %parallel_loop3A_175 : i32 to index
      %parallel_loop3A_190 = arith.constant 0 : index
      %parallel_loop3A_191 = tpu.vector_load %arg11[%parallel_loop3A_189, %parallel_loop3A_190] {strides = array<i32>} : memref<64x16xf32, #tpu.memory_space<vmem>>, vector<1x16xf32>,
      %parallel_loop3A_192 = vector.shape_cast %parallel_loop3A_191 : vector<1x16xf32> to vector<16xf32>
      %parallel_loop3A_193 = arith.mulf %parallel_loop3A_188, %parallel_loop3A_192 : vector<16xf32>
      %parallel_loop3A_194 = arith.addf %parallel_loop3A_184, %parallel_loop3A_193 : vector<16xf32>
      %parallel_loop3A_195 = arith.index_cast %parallel_loop3A_170 : i32 to index
      %parallel_loop3A_196 = arith.index_cast %parallel_loop3A_173 : i32 to index
      %parallel_loop3A_197 = tpu.vector_load %arg12[%parallel_loop3A_195, %parallel_loop3A_196] {strides = array<i32>} : memref<16x1024xf32, #tpu.memory_space<vmem>>, vector<1x16xf32>,
      %parallel_loop3A_198 = vector.shape_cast %parallel_loop3A_197 : vector<1x16xf32> to vector<16xf32>
      %parallel_loop3A_199 = vector.shape_cast %parallel_loop3A_194 : vector<16xf32> to vector<1x16xf32>
      tpu.vector_store %arg12[%parallel_loop3A_195, %parallel_loop3A_196], %parallel_loop3A_199 {strides = array<i32>} : memref<16x1024xf32, #tpu.memory_space<vmem>>, vector<1x16xf32>,
    } {sc.loop_unroll_factor = 8 : i64, sc.parallel_access}
    %dma_start3A_57 = arith.constant 0 : i32
    %dma_start3A_58 = tpu.memref_slice %arg7[%add3A_8, %dma_start3A_57] : memref<2048x1024xf32, #tpu.memory_space<hbm>> -> memref<16x1024xf32, #tpu.memory_space<hbm>>
    %dma_start3A_59 = arith.constant 0 : i32
    %dma_start3A_60 = tpu.memref_slice %arg7[%add3A_8, %dma_start3A_59] : memref<2048x1024xf32, #tpu.memory_space<hbm>> -> memref<16x1024xf32, #tpu.memory_space<hbm>>
    tpu.enqueue_dma source(%arg12 : memref<16x1024xf32, #tpu.memory_space<vmem>>) target(%dma_start3A_60 : memref<16x1024xf32, #tpu.memory_space<hbm>>) target_semaphore(%arg18 : memref<!tpu.dma_semaphore, #tpu.memory_space<semaphore_mem>>)
    %dma_wait3A_61 = arith.constant 0 : i32
    %dma_wait3A_62 = tpu.memref_slice %arg7[%add3A_8, %dma_wait3A_61] : memref<2048x1024xf32, #tpu.memory_space<hbm>> -> memref<16x1024xf32, #tpu.memory_space<hbm>>
    %dma_wait3A_63 = arith.constant 0 : i32
    %dma_wait3A_64 = tpu.memref_slice %arg7[%add3A_8, %dma_wait3A_63] : memref<2048x1024xf32, #tpu.memory_space<hbm>> -> memref<16x1024xf32, #tpu.memory_space<hbm>>
    tpu.wait_dma2 semaphore(%arg18 : memref<!tpu.dma_semaphore, #tpu.memory_space<semaphore_mem>>) src(%arg12 : memref<16x1024xf32, #tpu.memory_space<vmem>>) dst(%dma_wait3A_64 : memref<16x1024xf32, #tpu.memory_space<hbm>>)
    %dma_start3A_65 = arith.constant 2 : i32
    %dma_start3A_66 = arith.constant 0 : i32
    %dma_start3A_67 = tpu.memref_slice %arg8[%dma_start3A_65, %dma_start3A_66] : memref<4x16xi32, #tpu.memory_space<vmem>> -> memref<1x16xi32, #tpu.memory_space<vmem>>
    %dma_start3A_68 = tpu.memref_squeeze %dma_start3A_67 : memref<1x16xi32, #tpu.memory_space<vmem>> -> memref<16xi32, #tpu.memory_space<vmem>>
    %dma_start3A_69 = arith.constant 0 : i32
    %dma_start3A_70 = arith.constant 0 : i32
    %dma_start3A_71 = tpu.memref_slice %arg2[%dma_start3A_69, %dma_start3A_70] : memref<6144x1024xf32, #tpu.memory_space<hbm>> -> memref<6144x1024xf32, #tpu.memory_space<hbm>>
    tpu.enqueue_indirect_dma source(%dma_start3A_71 : memref<6144x1024xf32, #tpu.memory_space<hbm>>) target(%arg12 : memref<16x1024xf32, #tpu.memory_space<vmem>>) offsets(%dma_start3A_68 : memref<16xi32, #tpu.memory_space<vmem>>) semaphore(%arg16 : memref<!tpu.dma_semaphore, #tpu.memory_space<semaphore_mem>>)
    %dma_start3A_72 = arith.constant 2 : i32
    %dma_start3A_73 = arith.constant 0 : i32
    %dma_start3A_74 = tpu.memref_slice %arg9[%dma_start3A_72, %dma_start3A_73] : memref<4x16xi32, #tpu.memory_space<vmem>> -> memref<1x16xi32, #tpu.memory_space<vmem>>
    %dma_start3A_75 = tpu.memref_squeeze %dma_start3A_74 : memref<1x16xi32, #tpu.memory_space<vmem>> -> memref<16xi32, #tpu.memory_space<vmem>>
    %dma_start3A_76 = arith.constant 0 : i32
    %dma_start3A_77 = arith.constant 0 : i32
    %dma_start3A_78 = tpu.memref_slice %arg2[%dma_start3A_76, %dma_start3A_77] : memref<6144x1024xf32, #tpu.memory_space<hbm>> -> memref<6144x1024xf32, #tpu.memory_space<hbm>>
    tpu.enqueue_indirect_dma source(%dma_start3A_78 : memref<6144x1024xf32, #tpu.memory_space<hbm>>) target(%arg13 : memref<16x1024xf32, #tpu.memory_space<vmem>>) offsets(%dma_start3A_75 : memref<16xi32, #tpu.memory_space<vmem>>) semaphore(%arg16 : memref<!tpu.dma_semaphore, #tpu.memory_space<semaphore_mem>>)
    %dma_wait3A_79 = arith.constant 1 : i32
    %dma_wait3A_80 = arith.constant 0 : i32
    %dma_wait3A_81 = tpu.memref_slice %arg8[%dma_wait3A_79, %dma_wait3A_80] : memref<4x16xi32, #tpu.memory_space<vmem>> -> memref<1x16xi32, #tpu.memory_space<vmem>>
    %dma_wait3A_82 = tpu.memref_squeeze %dma_wait3A_81 : memref<1x16xi32, #tpu.memory_space<vmem>> -> memref<16xi32, #tpu.memory_space<vmem>>
    %dma_wait3A_83 = arith.constant 0 : i32
    %dma_wait3A_84 = arith.constant 0 : i32
    %dma_wait3A_85 = tpu.memref_slice %arg2[%dma_wait3A_83, %dma_wait3A_84] : memref<6144x1024xf32, #tpu.memory_space<hbm>> -> memref<6144x1024xf32, #tpu.memory_space<hbm>>
    tpu.wait_indirect_dma semaphore(%arg17 : memref<!tpu.dma_semaphore, #tpu.memory_space<semaphore_mem>>) src(%dma_wait3A_85 : memref<6144x1024xf32, #tpu.memory_space<hbm>>) dst(%arg14 : memref<16x1024xf32, #tpu.memory_space<vmem>>)
    %dma_wait3A_86 = arith.constant 1 : i32
    %dma_wait3A_87 = arith.constant 0 : i32
    %dma_wait3A_88 = tpu.memref_slice %arg9[%dma_wait3A_86, %dma_wait3A_87] : memref<4x16xi32, #tpu.memory_space<vmem>> -> memref<1x16xi32, #tpu.memory_space<vmem>>
    %dma_wait3A_89 = tpu.memref_squeeze %dma_wait3A_88 : memref<1x16xi32, #tpu.memory_space<vmem>> -> memref<16xi32, #tpu.memory_space<vmem>>
    %dma_wait3A_90 = arith.constant 0 : i32
    %dma_wait3A_91 = arith.constant 0 : i32
    %dma_wait3A_92 = tpu.memref_slice %arg2[%dma_wait3A_90, %dma_wait3A_91] : memref<6144x1024xf32, #tpu.memory_space<hbm>> -> memref<6144x1024xf32, #tpu.memory_space<hbm>>
    tpu.wait_indirect_dma semaphore(%arg17 : memref<!tpu.dma_semaphore, #tpu.memory_space<semaphore_mem>>) src(%dma_wait3A_92 : memref<6144x1024xf32, #tpu.memory_space<hbm>>) dst(%arg15 : memref<16x1024xf32, #tpu.memory_space<vmem>>)
    %parallel_loop3A_93 = arith.constant 0 : i32
    %parallel_loop3A_94 = arith.constant 16384 : i32
    %parallel_loop3A_95 = arith.constant 16 : i32
    scf.for %parallel_loop3A_168 = %parallel_loop3A_93 to %parallel_loop3A_94 step %parallel_loop3A_95  : i32 {
      %parallel_loop3A_169 = arith.constant 10 : i32
      %parallel_loop3A_170 = arith.shrui %parallel_loop3A_168, %parallel_loop3A_169 : i32
      %parallel_loop3A_171 = arith.constant 1023 : i32
      %parallel_loop3A_172 = arith.andi %parallel_loop3A_168, %parallel_loop3A_171 : i32
      %parallel_loop3A_173 = tpu.assume_multiple %parallel_loop3A_172, 16 : i32
      %parallel_loop3A_174 = arith.constant 16 : i32
      %parallel_loop3A_175 = arith.addi %parallel_loop3A_174, %parallel_loop3A_170 : i32
      %parallel_loop3A_176 = arith.index_cast %parallel_loop3A_170 : i32 to index
      %parallel_loop3A_177 = arith.index_cast %parallel_loop3A_173 : i32 to index
      %parallel_loop3A_178 = tpu.vector_load %arg14[%parallel_loop3A_176, %parallel_loop3A_177] {strides = array<i32>} : memref<16x1024xf32, #tpu.memory_space<vmem>>, vector<1x16xf32>,
      %parallel_loop3A_179 = vector.shape_cast %parallel_loop3A_178 : vector<1x16xf32> to vector<16xf32>
      %parallel_loop3A_180 = arith.index_cast %parallel_loop3A_175 : i32 to index
      %parallel_loop3A_181 = arith.constant 0 : index
      %parallel_loop3A_182 = tpu.vector_load %arg10[%parallel_loop3A_180, %parallel_loop3A_181] {strides = array<i32>} : memref<64x16xf32, #tpu.memory_space<vmem>>, vector<1x16xf32>,
      %parallel_loop3A_183 = vector.shape_cast %parallel_loop3A_182 : vector<1x16xf32> to vector<16xf32>
      %parallel_loop3A_184 = arith.mulf %parallel_loop3A_179, %parallel_loop3A_183 : vector<16xf32>
      %parallel_loop3A_185 = arith.index_cast %parallel_loop3A_170 : i32 to index
      %parallel_loop3A_186 = arith.index_cast %parallel_loop3A_173 : i32 to index
      %parallel_loop3A_187 = tpu.vector_load %arg15[%parallel_loop3A_185, %parallel_loop3A_186] {strides = array<i32>} : memref<16x1024xf32, #tpu.memory_space<vmem>>, vector<1x16xf32>,
      %parallel_loop3A_188 = vector.shape_cast %parallel_loop3A_187 : vector<1x16xf32> to vector<16xf32>
      %parallel_loop3A_189 = arith.index_cast %parallel_loop3A_175 : i32 to index
      %parallel_loop3A_190 = arith.constant 0 : index
      %parallel_loop3A_191 = tpu.vector_load %arg11[%parallel_loop3A_189, %parallel_loop3A_190] {strides = array<i32>} : memref<64x16xf32, #tpu.memory_space<vmem>>, vector<1x16xf32>,
      %parallel_loop3A_192 = vector.shape_cast %parallel_loop3A_191 : vector<1x16xf32> to vector<16xf32>
      %parallel_loop3A_193 = arith.mulf %parallel_loop3A_188, %parallel_loop3A_192 : vector<16xf32>
      %parallel_loop3A_194 = arith.addf %parallel_loop3A_184, %parallel_loop3A_193 : vector<16xf32>
      %parallel_loop3A_195 = arith.index_cast %parallel_loop3A_170 : i32 to index
      %parallel_loop3A_196 = arith.index_cast %parallel_loop3A_173 : i32 to index
      %parallel_loop3A_197 = tpu.vector_load %arg14[%parallel_loop3A_195, %parallel_loop3A_196] {strides = array<i32>} : memref<16x1024xf32, #tpu.memory_space<vmem>>, vector<1x16xf32>,
      %parallel_loop3A_198 = vector.shape_cast %parallel_loop3A_197 : vector<1x16xf32> to vector<16xf32>
      %parallel_loop3A_199 = vector.shape_cast %parallel_loop3A_194 : vector<16xf32> to vector<1x16xf32>
      tpu.vector_store %arg14[%parallel_loop3A_195, %parallel_loop3A_196], %parallel_loop3A_199 {strides = array<i32>} : memref<16x1024xf32, #tpu.memory_space<vmem>>, vector<1x16xf32>,
    } {sc.loop_unroll_factor = 8 : i64, sc.parallel_access}
    %dma_start3A_96 = arith.constant 0 : i32
    %dma_start3A_97 = tpu.memref_slice %arg7[%add3A_10, %dma_start3A_96] : memref<2048x1024xf32, #tpu.memory_space<hbm>> -> memref<16x1024xf32, #tpu.memory_space<hbm>>
    %dma_start3A_98 = arith.constant 0 : i32
    %dma_start3A_99 = tpu.memref_slice %arg7[%add3A_10, %dma_start3A_98] : memref<2048x1024xf32, #tpu.memory_space<hbm>> -> memref<16x1024xf32, #tpu.memory_space<hbm>>
    tpu.enqueue_dma source(%arg14 : memref<16x1024xf32, #tpu.memory_space<vmem>>) target(%dma_start3A_99 : memref<16x1024xf32, #tpu.memory_space<hbm>>) target_semaphore(%arg19 : memref<!tpu.dma_semaphore, #tpu.memory_space<semaphore_mem>>)
    %dma_wait3A_100 = arith.constant 0 : i32
    %dma_wait3A_101 = tpu.memref_slice %arg7[%add3A_10, %dma_wait3A_100] : memref<2048x1024xf32, #tpu.memory_space<hbm>> -> memref<16x1024xf32, #tpu.memory_space<hbm>>
    %dma_wait3A_102 = arith.constant 0 : i32
    %dma_wait3A_103 = tpu.memref_slice %arg7[%add3A_10, %dma_wait3A_102] : memref<2048x1024xf32, #tpu.memory_space<hbm>> -> memref<16x1024xf32, #tpu.memory_space<hbm>>
    tpu.wait_dma2 semaphore(%arg19 : memref<!tpu.dma_semaphore, #tpu.memory_space<semaphore_mem>>) src(%arg14 : memref<16x1024xf32, #tpu.memory_space<vmem>>) dst(%dma_wait3A_103 : memref<16x1024xf32, #tpu.memory_space<hbm>>)
    %dma_start3A_104 = arith.constant 3 : i32
    %dma_start3A_105 = arith.constant 0 : i32
    %dma_start3A_106 = tpu.memref_slice %arg8[%dma_start3A_104, %dma_start3A_105] : memref<4x16xi32, #tpu.memory_space<vmem>> -> memref<1x16xi32, #tpu.memory_space<vmem>>
    %dma_start3A_107 = tpu.memref_squeeze %dma_start3A_106 : memref<1x16xi32, #tpu.memory_space<vmem>> -> memref<16xi32, #tpu.memory_space<vmem>>
    %dma_start3A_108 = arith.constant 0 : i32
    %dma_start3A_109 = arith.constant 0 : i32
    %dma_start3A_110 = tpu.memref_slice %arg2[%dma_start3A_108, %dma_start3A_109] : memref<6144x1024xf32, #tpu.memory_space<hbm>> -> memref<6144x1024xf32, #tpu.memory_space<hbm>>
    tpu.enqueue_indirect_dma source(%dma_start3A_110 : memref<6144x1024xf32, #tpu.memory_space<hbm>>) target(%arg14 : memref<16x1024xf32, #tpu.memory_space<vmem>>) offsets(%dma_start3A_107 : memref<16xi32, #tpu.memory_space<vmem>>) semaphore(%arg17 : memref<!tpu.dma_semaphore, #tpu.memory_space<semaphore_mem>>)
    %dma_start3A_111 = arith.constant 3 : i32
    %dma_start3A_112 = arith.constant 0 : i32
    %dma_start3A_113 = tpu.memref_slice %arg9[%dma_start3A_111, %dma_start3A_112] : memref<4x16xi32, #tpu.memory_space<vmem>> -> memref<1x16xi32, #tpu.memory_space<vmem>>
    %dma_start3A_114 = tpu.memref_squeeze %dma_start3A_113 : memref<1x16xi32, #tpu.memory_space<vmem>> -> memref<16xi32, #tpu.memory_space<vmem>>
    %dma_start3A_115 = arith.constant 0 : i32
    %dma_start3A_116 = arith.constant 0 : i32
    %dma_start3A_117 = tpu.memref_slice %arg2[%dma_start3A_115, %dma_start3A_116] : memref<6144x1024xf32, #tpu.memory_space<hbm>> -> memref<6144x1024xf32, #tpu.memory_space<hbm>>
    tpu.enqueue_indirect_dma source(%dma_start3A_117 : memref<6144x1024xf32, #tpu.memory_space<hbm>>) target(%arg15 : memref<16x1024xf32, #tpu.memory_space<vmem>>) offsets(%dma_start3A_114 : memref<16xi32, #tpu.memory_space<vmem>>) semaphore(%arg17 : memref<!tpu.dma_semaphore, #tpu.memory_space<semaphore_mem>>)
    %dma_wait3A_118 = arith.constant 2 : i32
    %dma_wait3A_119 = arith.constant 0 : i32
    %dma_wait3A_120 = tpu.memref_slice %arg8[%dma_wait3A_118, %dma_wait3A_119] : memref<4x16xi32, #tpu.memory_space<vmem>> -> memref<1x16xi32, #tpu.memory_space<vmem>>
    %dma_wait3A_121 = tpu.memref_squeeze %dma_wait3A_120 : memref<1x16xi32, #tpu.memory_space<vmem>> -> memref<16xi32, #tpu.memory_space<vmem>>
    %dma_wait3A_122 = arith.constant 0 : i32
    %dma_wait3A_123 = arith.constant 0 : i32
    %dma_wait3A_124 = tpu.memref_slice %arg2[%dma_wait3A_122, %dma_wait3A_123] : memref<6144x1024xf32, #tpu.memory_space<hbm>> -> memref<6144x1024xf32, #tpu.memory_space<hbm>>
    tpu.wait_indirect_dma semaphore(%arg16 : memref<!tpu.dma_semaphore, #tpu.memory_space<semaphore_mem>>) src(%dma_wait3A_124 : memref<6144x1024xf32, #tpu.memory_space<hbm>>) dst(%arg12 : memref<16x1024xf32, #tpu.memory_space<vmem>>)
    %dma_wait3A_125 = arith.constant 2 : i32
    %dma_wait3A_126 = arith.constant 0 : i32
    %dma_wait3A_127 = tpu.memref_slice %arg9[%dma_wait3A_125, %dma_wait3A_126] : memref<4x16xi32, #tpu.memory_space<vmem>> -> memref<1x16xi32, #tpu.memory_space<vmem>>
    %dma_wait3A_128 = tpu.memref_squeeze %dma_wait3A_127 : memref<1x16xi32, #tpu.memory_space<vmem>> -> memref<16xi32, #tpu.memory_space<vmem>>
    %dma_wait3A_129 = arith.constant 0 : i32
    %dma_wait3A_130 = arith.constant 0 : i32
    %dma_wait3A_131 = tpu.memref_slice %arg2[%dma_wait3A_129, %dma_wait3A_130] : memref<6144x1024xf32, #tpu.memory_space<hbm>> -> memref<6144x1024xf32, #tpu.memory_space<hbm>>
    tpu.wait_indirect_dma semaphore(%arg16 : memref<!tpu.dma_semaphore, #tpu.memory_space<semaphore_mem>>) src(%dma_wait3A_131 : memref<6144x1024xf32, #tpu.memory_space<hbm>>) dst(%arg13 : memref<16x1024xf32, #tpu.memory_space<vmem>>)
    %parallel_loop3A_132 = arith.constant 0 : i32
    %parallel_loop3A_133 = arith.constant 16384 : i32
    %parallel_loop3A_134 = arith.constant 16 : i32
    scf.for %parallel_loop3A_168 = %parallel_loop3A_132 to %parallel_loop3A_133 step %parallel_loop3A_134  : i32 {
      %parallel_loop3A_169 = arith.constant 10 : i32
      %parallel_loop3A_170 = arith.shrui %parallel_loop3A_168, %parallel_loop3A_169 : i32
      %parallel_loop3A_171 = arith.constant 1023 : i32
      %parallel_loop3A_172 = arith.andi %parallel_loop3A_168, %parallel_loop3A_171 : i32
      %parallel_loop3A_173 = tpu.assume_multiple %parallel_loop3A_172, 16 : i32
      %parallel_loop3A_174 = arith.constant 32 : i32
      %parallel_loop3A_175 = arith.addi %parallel_loop3A_174, %parallel_loop3A_170 : i32
      %parallel_loop3A_176 = arith.index_cast %parallel_loop3A_170 : i32 to index
      %parallel_loop3A_177 = arith.index_cast %parallel_loop3A_173 : i32 to index
      %parallel_loop3A_178 = tpu.vector_load %arg12[%parallel_loop3A_176, %parallel_loop3A_177] {strides = array<i32>} : memref<16x1024xf32, #tpu.memory_space<vmem>>, vector<1x16xf32>,
      %parallel_loop3A_179 = vector.shape_cast %parallel_loop3A_178 : vector<1x16xf32> to vector<16xf32>
      %parallel_loop3A_180 = arith.index_cast %parallel_loop3A_175 : i32 to index
      %parallel_loop3A_181 = arith.constant 0 : index
      %parallel_loop3A_182 = tpu.vector_load %arg10[%parallel_loop3A_180, %parallel_loop3A_181] {strides = array<i32>} : memref<64x16xf32, #tpu.memory_space<vmem>>, vector<1x16xf32>,
      %parallel_loop3A_183 = vector.shape_cast %parallel_loop3A_182 : vector<1x16xf32> to vector<16xf32>
      %parallel_loop3A_184 = arith.mulf %parallel_loop3A_179, %parallel_loop3A_183 : vector<16xf32>
      %parallel_loop3A_185 = arith.index_cast %parallel_loop3A_170 : i32 to index
      %parallel_loop3A_186 = arith.index_cast %parallel_loop3A_173 : i32 to index
      %parallel_loop3A_187 = tpu.vector_load %arg13[%parallel_loop3A_185, %parallel_loop3A_186] {strides = array<i32>} : memref<16x1024xf32, #tpu.memory_space<vmem>>, vector<1x16xf32>,
      %parallel_loop3A_188 = vector.shape_cast %parallel_loop3A_187 : vector<1x16xf32> to vector<16xf32>
      %parallel_loop3A_189 = arith.index_cast %parallel_loop3A_175 : i32 to index
      %parallel_loop3A_190 = arith.constant 0 : index
      %parallel_loop3A_191 = tpu.vector_load %arg11[%parallel_loop3A_189, %parallel_loop3A_190] {strides = array<i32>} : memref<64x16xf32, #tpu.memory_space<vmem>>, vector<1x16xf32>,
      %parallel_loop3A_192 = vector.shape_cast %parallel_loop3A_191 : vector<1x16xf32> to vector<16xf32>
      %parallel_loop3A_193 = arith.mulf %parallel_loop3A_188, %parallel_loop3A_192 : vector<16xf32>
      %parallel_loop3A_194 = arith.addf %parallel_loop3A_184, %parallel_loop3A_193 : vector<16xf32>
      %parallel_loop3A_195 = arith.index_cast %parallel_loop3A_170 : i32 to index
      %parallel_loop3A_196 = arith.index_cast %parallel_loop3A_173 : i32 to index
      %parallel_loop3A_197 = tpu.vector_load %arg12[%parallel_loop3A_195, %parallel_loop3A_196] {strides = array<i32>} : memref<16x1024xf32, #tpu.memory_space<vmem>>, vector<1x16xf32>,
      %parallel_loop3A_198 = vector.shape_cast %parallel_loop3A_197 : vector<1x16xf32> to vector<16xf32>
      %parallel_loop3A_199 = vector.shape_cast %parallel_loop3A_194 : vector<16xf32> to vector<1x16xf32>
      tpu.vector_store %arg12[%parallel_loop3A_195, %parallel_loop3A_196], %parallel_loop3A_199 {strides = array<i32>} : memref<16x1024xf32, #tpu.memory_space<vmem>>, vector<1x16xf32>,
    } {sc.loop_unroll_factor = 8 : i64, sc.parallel_access}
    %dma_start3A_135 = arith.constant 0 : i32
    %dma_start3A_136 = tpu.memref_slice %arg7[%add3A_12, %dma_start3A_135] : memref<2048x1024xf32, #tpu.memory_space<hbm>> -> memref<16x1024xf32, #tpu.memory_space<hbm>>
    %dma_start3A_137 = arith.constant 0 : i32
    %dma_start3A_138 = tpu.memref_slice %arg7[%add3A_12, %dma_start3A_137] : memref<2048x1024xf32, #tpu.memory_space<hbm>> -> memref<16x1024xf32, #tpu.memory_space<hbm>>
    tpu.enqueue_dma source(%arg12 : memref<16x1024xf32, #tpu.memory_space<vmem>>) target(%dma_start3A_138 : memref<16x1024xf32, #tpu.memory_space<hbm>>) target_semaphore(%arg18 : memref<!tpu.dma_semaphore, #tpu.memory_space<semaphore_mem>>)
    %dma_wait3A_139 = arith.constant 3 : i32
    %dma_wait3A_140 = arith.constant 0 : i32
    %dma_wait3A_141 = tpu.memref_slice %arg8[%dma_wait3A_139, %dma_wait3A_140] : memref<4x16xi32, #tpu.memory_space<vmem>> -> memref<1x16xi32, #tpu.memory_space<vmem>>
    %dma_wait3A_142 = tpu.memref_squeeze %dma_wait3A_141 : memref<1x16xi32, #tpu.memory_space<vmem>> -> memref<16xi32, #tpu.memory_space<vmem>>
    %dma_wait3A_143 = arith.constant 0 : i32
    %dma_wait3A_144 = arith.constant 0 : i32
    %dma_wait3A_145 = tpu.memref_slice %arg2[%dma_wait3A_143, %dma_wait3A_144] : memref<6144x1024xf32, #tpu.memory_space<hbm>> -> memref<6144x1024xf32, #tpu.memory_space<hbm>>
    tpu.wait_indirect_dma semaphore(%arg17 : memref<!tpu.dma_semaphore, #tpu.memory_space<semaphore_mem>>) src(%dma_wait3A_145 : memref<6144x1024xf32, #tpu.memory_space<hbm>>) dst(%arg14 : memref<16x1024xf32, #tpu.memory_space<vmem>>)
    %dma_wait3A_146 = arith.constant 3 : i32
    %dma_wait3A_147 = arith.constant 0 : i32
    %dma_wait3A_148 = tpu.memref_slice %arg9[%dma_wait3A_146, %dma_wait3A_147] : memref<4x16xi32, #tpu.memory_space<vmem>> -> memref<1x16xi32, #tpu.memory_space<vmem>>
    %dma_wait3A_149 = tpu.memref_squeeze %dma_wait3A_148 : memref<1x16xi32, #tpu.memory_space<vmem>> -> memref<16xi32, #tpu.memory_space<vmem>>
    %dma_wait3A_150 = arith.constant 0 : i32
    %dma_wait3A_151 = arith.constant 0 : i32
    %dma_wait3A_152 = tpu.memref_slice %arg2[%dma_wait3A_150, %dma_wait3A_151] : memref<6144x1024xf32, #tpu.memory_space<hbm>> -> memref<6144x1024xf32, #tpu.memory_space<hbm>>
    tpu.wait_indirect_dma semaphore(%arg17 : memref<!tpu.dma_semaphore, #tpu.memory_space<semaphore_mem>>) src(%dma_wait3A_152 : memref<6144x1024xf32, #tpu.memory_space<hbm>>) dst(%arg15 : memref<16x1024xf32, #tpu.memory_space<vmem>>)
    %parallel_loop3A_153 = arith.constant 0 : i32
    %parallel_loop3A_154 = arith.constant 16384 : i32
    %parallel_loop3A_155 = arith.constant 16 : i32
    scf.for %parallel_loop3A_168 = %parallel_loop3A_153 to %parallel_loop3A_154 step %parallel_loop3A_155  : i32 {
      %parallel_loop3A_169 = arith.constant 10 : i32
      %parallel_loop3A_170 = arith.shrui %parallel_loop3A_168, %parallel_loop3A_169 : i32
      %parallel_loop3A_171 = arith.constant 1023 : i32
      %parallel_loop3A_172 = arith.andi %parallel_loop3A_168, %parallel_loop3A_171 : i32
      %parallel_loop3A_173 = tpu.assume_multiple %parallel_loop3A_172, 16 : i32
      %parallel_loop3A_174 = arith.constant 48 : i32
      %parallel_loop3A_175 = arith.addi %parallel_loop3A_174, %parallel_loop3A_170 : i32
      %parallel_loop3A_176 = arith.index_cast %parallel_loop3A_170 : i32 to index
      %parallel_loop3A_177 = arith.index_cast %parallel_loop3A_173 : i32 to index
      %parallel_loop3A_178 = tpu.vector_load %arg14[%parallel_loop3A_176, %parallel_loop3A_177] {strides = array<i32>} : memref<16x1024xf32, #tpu.memory_space<vmem>>, vector<1x16xf32>,
      %parallel_loop3A_179 = vector.shape_cast %parallel_loop3A_178 : vector<1x16xf32> to vector<16xf32>
      %parallel_loop3A_180 = arith.index_cast %parallel_loop3A_175 : i32 to index
      %parallel_loop3A_181 = arith.constant 0 : index
      %parallel_loop3A_182 = tpu.vector_load %arg10[%parallel_loop3A_180, %parallel_loop3A_181] {strides = array<i32>} : memref<64x16xf32, #tpu.memory_space<vmem>>, vector<1x16xf32>,
      %parallel_loop3A_183 = vector.shape_cast %parallel_loop3A_182 : vector<1x16xf32> to vector<16xf32>
      %parallel_loop3A_184 = arith.mulf %parallel_loop3A_179, %parallel_loop3A_183 : vector<16xf32>
      %parallel_loop3A_185 = arith.index_cast %parallel_loop3A_170 : i32 to index
      %parallel_loop3A_186 = arith.index_cast %parallel_loop3A_173 : i32 to index
      %parallel_loop3A_187 = tpu.vector_load %arg15[%parallel_loop3A_185, %parallel_loop3A_186] {strides = array<i32>} : memref<16x1024xf32, #tpu.memory_space<vmem>>, vector<1x16xf32>,
      %parallel_loop3A_188 = vector.shape_cast %parallel_loop3A_187 : vector<1x16xf32> to vector<16xf32>
      %parallel_loop3A_189 = arith.index_cast %parallel_loop3A_175 : i32 to index
      %parallel_loop3A_190 = arith.constant 0 : index
      %parallel_loop3A_191 = tpu.vector_load %arg11[%parallel_loop3A_189, %parallel_loop3A_190] {strides = array<i32>} : memref<64x16xf32, #tpu.memory_space<vmem>>, vector<1x16xf32>,
      %parallel_loop3A_192 = vector.shape_cast %parallel_loop3A_191 : vector<1x16xf32> to vector<16xf32>
      %parallel_loop3A_193 = arith.mulf %parallel_loop3A_188, %parallel_loop3A_192 : vector<16xf32>
      %parallel_loop3A_194 = arith.addf %parallel_loop3A_184, %parallel_loop3A_193 : vector<16xf32>
      %parallel_loop3A_195 = arith.index_cast %parallel_loop3A_170 : i32 to index
      %parallel_loop3A_196 = arith.index_cast %parallel_loop3A_173 : i32 to index
      %parallel_loop3A_197 = tpu.vector_load %arg14[%parallel_loop3A_195, %parallel_loop3A_196] {strides = array<i32>} : memref<16x1024xf32, #tpu.memory_space<vmem>>, vector<1x16xf32>,
      %parallel_loop3A_198 = vector.shape_cast %parallel_loop3A_197 : vector<1x16xf32> to vector<16xf32>
      %parallel_loop3A_199 = vector.shape_cast %parallel_loop3A_194 : vector<16xf32> to vector<1x16xf32>
      tpu.vector_store %arg14[%parallel_loop3A_195, %parallel_loop3A_196], %parallel_loop3A_199 {strides = array<i32>} : memref<16x1024xf32, #tpu.memory_space<vmem>>, vector<1x16xf32>,
    } {sc.loop_unroll_factor = 8 : i64, sc.parallel_access}
    %dma_start3A_156 = arith.constant 0 : i32
    %dma_start3A_157 = tpu.memref_slice %arg7[%add3A_14, %dma_start3A_156] : memref<2048x1024xf32, #tpu.memory_space<hbm>> -> memref<16x1024xf32, #tpu.memory_space<hbm>>
    %dma_start3A_158 = arith.constant 0 : i32
    %dma_start3A_159 = tpu.memref_slice %arg7[%add3A_14, %dma_start3A_158] : memref<2048x1024xf32, #tpu.memory_space<hbm>> -> memref<16x1024xf32, #tpu.memory_space<hbm>>
    tpu.enqueue_dma source(%arg14 : memref<16x1024xf32, #tpu.memory_space<vmem>>) target(%dma_start3A_159 : memref<16x1024xf32, #tpu.memory_space<hbm>>) target_semaphore(%arg19 : memref<!tpu.dma_semaphore, #tpu.memory_space<semaphore_mem>>)
    %dma_wait3A_160 = arith.constant 0 : i32
    %dma_wait3A_161 = tpu.memref_slice %arg7[%add3A_12, %dma_wait3A_160] : memref<2048x1024xf32, #tpu.memory_space<hbm>> -> memref<16x1024xf32, #tpu.memory_space<hbm>>
    %dma_wait3A_162 = arith.constant 0 : i32
    %dma_wait3A_163 = tpu.memref_slice %arg7[%add3A_12, %dma_wait3A_162] : memref<2048x1024xf32, #tpu.memory_space<hbm>> -> memref<16x1024xf32, #tpu.memory_space<hbm>>
    tpu.wait_dma2 semaphore(%arg18 : memref<!tpu.dma_semaphore, #tpu.memory_space<semaphore_mem>>) src(%arg12 : memref<16x1024xf32, #tpu.memory_space<vmem>>) dst(%dma_wait3A_163 : memref<16x1024xf32, #tpu.memory_space<hbm>>)
    %dma_wait3A_164 = arith.constant 0 : i32
    %dma_wait3A_165 = tpu.memref_slice %arg7[%add3A_14, %dma_wait3A_164] : memref<2048x1024xf32, #tpu.memory_space<hbm>> -> memref<16x1024xf32, #tpu.memory_space<hbm>>
    %dma_wait3A_166 = arith.constant 0 : i32
    %dma_wait3A_167 = tpu.memref_slice %arg7[%add3A_14, %dma_wait3A_166] : memref<2048x1024xf32, #tpu.memory_space<hbm>> -> memref<16x1024xf32, #tpu.memory_space<hbm>>
    tpu.wait_dma2 semaphore(%arg19 : memref<!tpu.dma_semaphore, #tpu.memory_space<semaphore_mem>>) src(%arg14 : memref<16x1024xf32, #tpu.memory_space<vmem>>) dst(%dma_wait3A_167 : memref<16x1024xf32, #tpu.memory_space<hbm>>)
    return
  }
}

#map = affine_map<(d0, d1) -> (0, 0)>
module attributes {stable_mosaic.version = 14 : i64} {
  func.func @_dispatch_body(%arg0: i32, %arg1: i32, %arg2: memref<2048x1024xf32, #tpu.memory_space<hbm>>, %arg3: memref<64x32xi32, #tpu.memory_space<hbm>>, %arg4: memref<64x32xi32, #tpu.memory_space<hbm>>, %arg5: memref<6144x1024xf32, #tpu.memory_space<hbm>>, %arg6: memref<2x32xi32, #tpu.memory_space<vmem>>, %arg7: memref<2x32xi32, #tpu.memory_space<vmem>>, %arg8: memref<32x1024xf32, #tpu.memory_space<vmem>>, %arg9: memref<32x1024xf32, #tpu.memory_space<vmem>>, %arg10: memref<!tpu.dma_semaphore, #tpu.memory_space<semaphore_mem>>, %arg11: memref<!tpu.dma_semaphore, #tpu.memory_space<semaphore_mem>>, %arg12: memref<!tpu.dma_semaphore, #tpu.memory_space<semaphore_mem>>, %arg13: memref<!tpu.dma_semaphore, #tpu.memory_space<semaphore_mem>>) attributes {dimension_semantics = [#tpu.dimension_semantics<core_parallel>, #tpu.dimension_semantics<subcore_parallel>], iteration_bounds = array<i64: 2, 16>, scalar_prefetch = 0 : i64, scratch_operands = 8 : i64, tpu.core_type = #tpu.core_type<sc_vector_subcore>, window_params = [{transform_indices = #map}, {transform_indices = #map}, {transform_indices = #map}, {transform_indices = #map}]} {
    %mul3A = arith.constant 2 : i32
    %mul3A_0 = arith.muli %arg1, %mul3A : i32
    %add3A = arith.addi %mul3A_0, %arg0 : i32
    %mul3A_1 = arith.constant 64 : i32
    %mul3A_2 = arith.muli %add3A, %mul3A_1 : i32
    %mul3A_3 = arith.constant 2 : i32
    %mul3A_4 = arith.muli %add3A, %mul3A_3 : i32
    "tpu.region"() ({
      %run_scoped3A = tpu.sem_alloc : memref<!tpu.dma_semaphore, #tpu.memory_space<semaphore_mem>>
      %dma_start3A_81 = arith.constant 0 : i32
      %dma_start3A_82 = tpu.memref_slice %arg3[%mul3A_4, %dma_start3A_81] : memref<64x32xi32, #tpu.memory_space<hbm>> -> memref<2x32xi32, #tpu.memory_space<hbm>>
      %dma_start3A_83 = arith.constant 0 : i32
      %dma_start3A_84 = tpu.memref_slice %arg3[%mul3A_4, %dma_start3A_83] : memref<64x32xi32, #tpu.memory_space<hbm>> -> memref<2x32xi32, #tpu.memory_space<hbm>>
      tpu.enqueue_dma source(%dma_start3A_84 : memref<2x32xi32, #tpu.memory_space<hbm>>) target(%arg6 : memref<2x32xi32, #tpu.memory_space<vmem>>) target_semaphore(%run_scoped3A : memref<!tpu.dma_semaphore, #tpu.memory_space<semaphore_mem>>)
      %dma_wait3A_85 = arith.constant 0 : i32
      %dma_wait3A_86 = tpu.memref_slice %arg3[%mul3A_4, %dma_wait3A_85] : memref<64x32xi32, #tpu.memory_space<hbm>> -> memref<2x32xi32, #tpu.memory_space<hbm>>
      %dma_wait3A_87 = arith.constant 0 : i32
      %dma_wait3A_88 = tpu.memref_slice %arg3[%mul3A_4, %dma_wait3A_87] : memref<64x32xi32, #tpu.memory_space<hbm>> -> memref<2x32xi32, #tpu.memory_space<hbm>>
      tpu.wait_dma2 semaphore(%run_scoped3A : memref<!tpu.dma_semaphore, #tpu.memory_space<semaphore_mem>>) src(%dma_wait3A_88 : memref<2x32xi32, #tpu.memory_space<hbm>>) dst(%arg6 : memref<2x32xi32, #tpu.memory_space<vmem>>)
      tpu.yield
    }) : () -> ()
    %mul3A_5 = arith.constant 2 : i32
    %mul3A_6 = arith.muli %add3A, %mul3A_5 : i32
    "tpu.region"() ({
      %run_scoped3A = tpu.sem_alloc : memref<!tpu.dma_semaphore, #tpu.memory_space<semaphore_mem>>
      %dma_start3A_81 = arith.constant 0 : i32
      %dma_start3A_82 = tpu.memref_slice %arg4[%mul3A_6, %dma_start3A_81] : memref<64x32xi32, #tpu.memory_space<hbm>> -> memref<2x32xi32, #tpu.memory_space<hbm>>
      %dma_start3A_83 = arith.constant 0 : i32
      %dma_start3A_84 = tpu.memref_slice %arg4[%mul3A_6, %dma_start3A_83] : memref<64x32xi32, #tpu.memory_space<hbm>> -> memref<2x32xi32, #tpu.memory_space<hbm>>
      tpu.enqueue_dma source(%dma_start3A_84 : memref<2x32xi32, #tpu.memory_space<hbm>>) target(%arg7 : memref<2x32xi32, #tpu.memory_space<vmem>>) target_semaphore(%run_scoped3A : memref<!tpu.dma_semaphore, #tpu.memory_space<semaphore_mem>>)
      %dma_wait3A_85 = arith.constant 0 : i32
      %dma_wait3A_86 = tpu.memref_slice %arg4[%mul3A_6, %dma_wait3A_85] : memref<64x32xi32, #tpu.memory_space<hbm>> -> memref<2x32xi32, #tpu.memory_space<hbm>>
      %dma_wait3A_87 = arith.constant 0 : i32
      %dma_wait3A_88 = tpu.memref_slice %arg4[%mul3A_6, %dma_wait3A_87] : memref<64x32xi32, #tpu.memory_space<hbm>> -> memref<2x32xi32, #tpu.memory_space<hbm>>
      tpu.wait_dma2 semaphore(%run_scoped3A : memref<!tpu.dma_semaphore, #tpu.memory_space<semaphore_mem>>) src(%dma_wait3A_88 : memref<2x32xi32, #tpu.memory_space<hbm>>) dst(%arg7 : memref<2x32xi32, #tpu.memory_space<vmem>>)
      tpu.yield
    }) : () -> ()
    %add3A_7 = arith.constant 0 : i32
    %add3A_8 = arith.addi %mul3A_2, %add3A_7 : i32
    %add3A_9 = arith.constant 32 : i32
    %add3A_10 = arith.addi %mul3A_2, %add3A_9 : i32
    %dma_start3A = arith.constant 0 : i32
    %dma_start3A_11 = tpu.memref_slice %arg2[%add3A_8, %dma_start3A] : memref<2048x1024xf32, #tpu.memory_space<hbm>> -> memref<32x1024xf32, #tpu.memory_space<hbm>>
    %dma_start3A_12 = arith.constant 0 : i32
    %dma_start3A_13 = tpu.memref_slice %arg2[%add3A_8, %dma_start3A_12] : memref<2048x1024xf32, #tpu.memory_space<hbm>> -> memref<32x1024xf32, #tpu.memory_space<hbm>>
    tpu.enqueue_dma source(%dma_start3A_13 : memref<32x1024xf32, #tpu.memory_space<hbm>>) target(%arg8 : memref<32x1024xf32, #tpu.memory_space<vmem>>) target_semaphore(%arg10 : memref<!tpu.dma_semaphore, #tpu.memory_space<semaphore_mem>>)
    %dma_start3A_14 = arith.constant 0 : i32
    %dma_start3A_15 = tpu.memref_slice %arg2[%add3A_10, %dma_start3A_14] : memref<2048x1024xf32, #tpu.memory_space<hbm>> -> memref<32x1024xf32, #tpu.memory_space<hbm>>
    %dma_start3A_16 = arith.constant 0 : i32
    %dma_start3A_17 = tpu.memref_slice %arg2[%add3A_10, %dma_start3A_16] : memref<2048x1024xf32, #tpu.memory_space<hbm>> -> memref<32x1024xf32, #tpu.memory_space<hbm>>
    tpu.enqueue_dma source(%dma_start3A_17 : memref<32x1024xf32, #tpu.memory_space<hbm>>) target(%arg9 : memref<32x1024xf32, #tpu.memory_space<vmem>>) target_semaphore(%arg11 : memref<!tpu.dma_semaphore, #tpu.memory_space<semaphore_mem>>)
    %dma_wait3A = arith.constant 0 : i32
    %dma_wait3A_18 = tpu.memref_slice %arg2[%add3A_8, %dma_wait3A] : memref<2048x1024xf32, #tpu.memory_space<hbm>> -> memref<32x1024xf32, #tpu.memory_space<hbm>>
    %dma_wait3A_19 = arith.constant 0 : i32
    %dma_wait3A_20 = tpu.memref_slice %arg2[%add3A_8, %dma_wait3A_19] : memref<2048x1024xf32, #tpu.memory_space<hbm>> -> memref<32x1024xf32, #tpu.memory_space<hbm>>
    tpu.wait_dma2 semaphore(%arg10 : memref<!tpu.dma_semaphore, #tpu.memory_space<semaphore_mem>>) src(%dma_wait3A_20 : memref<32x1024xf32, #tpu.memory_space<hbm>>) dst(%arg8 : memref<32x1024xf32, #tpu.memory_space<vmem>>)
    %dma_start3A_21 = arith.constant 0 : i32
    %dma_start3A_22 = arith.constant 0 : i32
    %dma_start3A_23 = tpu.memref_slice %arg6[%dma_start3A_21, %dma_start3A_22] : memref<2x32xi32, #tpu.memory_space<vmem>> -> memref<1x32xi32, #tpu.memory_space<vmem>>
    %dma_start3A_24 = tpu.memref_squeeze %dma_start3A_23 : memref<1x32xi32, #tpu.memory_space<vmem>> -> memref<32xi32, #tpu.memory_space<vmem>>
    %dma_start3A_25 = arith.constant 0 : i32
    %dma_start3A_26 = arith.constant 0 : i32
    %dma_start3A_27 = tpu.memref_slice %arg5[%dma_start3A_25, %dma_start3A_26] : memref<6144x1024xf32, #tpu.memory_space<hbm>> -> memref<6144x1024xf32, #tpu.memory_space<hbm>>
    tpu.enqueue_indirect_dma source(%arg8 : memref<32x1024xf32, #tpu.memory_space<vmem>>) target(%dma_start3A_27 : memref<6144x1024xf32, #tpu.memory_space<hbm>>) offsets(%dma_start3A_24 : memref<32xi32, #tpu.memory_space<vmem>>) semaphore(%arg12 : memref<!tpu.dma_semaphore, #tpu.memory_space<semaphore_mem>>)
    %dma_start3A_28 = arith.constant 0 : i32
    %dma_start3A_29 = arith.constant 0 : i32
    %dma_start3A_30 = tpu.memref_slice %arg7[%dma_start3A_28, %dma_start3A_29] : memref<2x32xi32, #tpu.memory_space<vmem>> -> memref<1x32xi32, #tpu.memory_space<vmem>>
    %dma_start3A_31 = tpu.memref_squeeze %dma_start3A_30 : memref<1x32xi32, #tpu.memory_space<vmem>> -> memref<32xi32, #tpu.memory_space<vmem>>
    %dma_start3A_32 = arith.constant 0 : i32
    %dma_start3A_33 = arith.constant 0 : i32
    %dma_start3A_34 = tpu.memref_slice %arg5[%dma_start3A_32, %dma_start3A_33] : memref<6144x1024xf32, #tpu.memory_space<hbm>> -> memref<6144x1024xf32, #tpu.memory_space<hbm>>
    tpu.enqueue_indirect_dma source(%arg8 : memref<32x1024xf32, #tpu.memory_space<vmem>>) target(%dma_start3A_34 : memref<6144x1024xf32, #tpu.memory_space<hbm>>) offsets(%dma_start3A_31 : memref<32xi32, #tpu.memory_space<vmem>>) semaphore(%arg12 : memref<!tpu.dma_semaphore, #tpu.memory_space<semaphore_mem>>)
    %dma_wait3A_35 = arith.constant 0 : i32
    %dma_wait3A_36 = tpu.memref_slice %arg2[%add3A_10, %dma_wait3A_35] : memref<2048x1024xf32, #tpu.memory_space<hbm>> -> memref<32x1024xf32, #tpu.memory_space<hbm>>
    %dma_wait3A_37 = arith.constant 0 : i32
    %dma_wait3A_38 = tpu.memref_slice %arg2[%add3A_10, %dma_wait3A_37] : memref<2048x1024xf32, #tpu.memory_space<hbm>> -> memref<32x1024xf32, #tpu.memory_space<hbm>>
    tpu.wait_dma2 semaphore(%arg11 : memref<!tpu.dma_semaphore, #tpu.memory_space<semaphore_mem>>) src(%dma_wait3A_38 : memref<32x1024xf32, #tpu.memory_space<hbm>>) dst(%arg9 : memref<32x1024xf32, #tpu.memory_space<vmem>>)
    %dma_start3A_39 = arith.constant 1 : i32
    %dma_start3A_40 = arith.constant 0 : i32
    %dma_start3A_41 = tpu.memref_slice %arg6[%dma_start3A_39, %dma_start3A_40] : memref<2x32xi32, #tpu.memory_space<vmem>> -> memref<1x32xi32, #tpu.memory_space<vmem>>
    %dma_start3A_42 = tpu.memref_squeeze %dma_start3A_41 : memref<1x32xi32, #tpu.memory_space<vmem>> -> memref<32xi32, #tpu.memory_space<vmem>>
    %dma_start3A_43 = arith.constant 0 : i32
    %dma_start3A_44 = arith.constant 0 : i32
    %dma_start3A_45 = tpu.memref_slice %arg5[%dma_start3A_43, %dma_start3A_44] : memref<6144x1024xf32, #tpu.memory_space<hbm>> -> memref<6144x1024xf32, #tpu.memory_space<hbm>>
    tpu.enqueue_indirect_dma source(%arg9 : memref<32x1024xf32, #tpu.memory_space<vmem>>) target(%dma_start3A_45 : memref<6144x1024xf32, #tpu.memory_space<hbm>>) offsets(%dma_start3A_42 : memref<32xi32, #tpu.memory_space<vmem>>) semaphore(%arg13 : memref<!tpu.dma_semaphore, #tpu.memory_space<semaphore_mem>>)
    %dma_start3A_46 = arith.constant 1 : i32
    %dma_start3A_47 = arith.constant 0 : i32
    %dma_start3A_48 = tpu.memref_slice %arg7[%dma_start3A_46, %dma_start3A_47] : memref<2x32xi32, #tpu.memory_space<vmem>> -> memref<1x32xi32, #tpu.memory_space<vmem>>
    %dma_start3A_49 = tpu.memref_squeeze %dma_start3A_48 : memref<1x32xi32, #tpu.memory_space<vmem>> -> memref<32xi32, #tpu.memory_space<vmem>>
    %dma_start3A_50 = arith.constant 0 : i32
    %dma_start3A_51 = arith.constant 0 : i32
    %dma_start3A_52 = tpu.memref_slice %arg5[%dma_start3A_50, %dma_start3A_51] : memref<6144x1024xf32, #tpu.memory_space<hbm>> -> memref<6144x1024xf32, #tpu.memory_space<hbm>>
    tpu.enqueue_indirect_dma source(%arg9 : memref<32x1024xf32, #tpu.memory_space<vmem>>) target(%dma_start3A_52 : memref<6144x1024xf32, #tpu.memory_space<hbm>>) offsets(%dma_start3A_49 : memref<32xi32, #tpu.memory_space<vmem>>) semaphore(%arg13 : memref<!tpu.dma_semaphore, #tpu.memory_space<semaphore_mem>>)
    %dma_wait3A_53 = arith.constant 0 : i32
    %dma_wait3A_54 = arith.constant 0 : i32
    %dma_wait3A_55 = tpu.memref_slice %arg6[%dma_wait3A_53, %dma_wait3A_54] : memref<2x32xi32, #tpu.memory_space<vmem>> -> memref<1x32xi32, #tpu.memory_space<vmem>>
    %dma_wait3A_56 = tpu.memref_squeeze %dma_wait3A_55 : memref<1x32xi32, #tpu.memory_space<vmem>> -> memref<32xi32, #tpu.memory_space<vmem>>
    %dma_wait3A_57 = arith.constant 0 : i32
    %dma_wait3A_58 = arith.constant 0 : i32
    %dma_wait3A_59 = tpu.memref_slice %arg5[%dma_wait3A_57, %dma_wait3A_58] : memref<6144x1024xf32, #tpu.memory_space<hbm>> -> memref<6144x1024xf32, #tpu.memory_space<hbm>>
    tpu.wait_indirect_dma semaphore(%arg12 : memref<!tpu.dma_semaphore, #tpu.memory_space<semaphore_mem>>) src(%arg8 : memref<32x1024xf32, #tpu.memory_space<vmem>>) dst(%dma_wait3A_59 : memref<6144x1024xf32, #tpu.memory_space<hbm>>)
    %dma_wait3A_60 = arith.constant 0 : i32
    %dma_wait3A_61 = arith.constant 0 : i32
    %dma_wait3A_62 = tpu.memref_slice %arg7[%dma_wait3A_60, %dma_wait3A_61] : memref<2x32xi32, #tpu.memory_space<vmem>> -> memref<1x32xi32, #tpu.memory_space<vmem>>
    %dma_wait3A_63 = tpu.memref_squeeze %dma_wait3A_62 : memref<1x32xi32, #tpu.memory_space<vmem>> -> memref<32xi32, #tpu.memory_space<vmem>>
    %dma_wait3A_64 = arith.constant 0 : i32
    %dma_wait3A_65 = arith.constant 0 : i32
    %dma_wait3A_66 = tpu.memref_slice %arg5[%dma_wait3A_64, %dma_wait3A_65] : memref<6144x1024xf32, #tpu.memory_space<hbm>> -> memref<6144x1024xf32, #tpu.memory_space<hbm>>
    tpu.wait_indirect_dma semaphore(%arg12 : memref<!tpu.dma_semaphore, #tpu.memory_space<semaphore_mem>>) src(%arg8 : memref<32x1024xf32, #tpu.memory_space<vmem>>) dst(%dma_wait3A_66 : memref<6144x1024xf32, #tpu.memory_space<hbm>>)
    %dma_wait3A_67 = arith.constant 1 : i32
    %dma_wait3A_68 = arith.constant 0 : i32
    %dma_wait3A_69 = tpu.memref_slice %arg6[%dma_wait3A_67, %dma_wait3A_68] : memref<2x32xi32, #tpu.memory_space<vmem>> -> memref<1x32xi32, #tpu.memory_space<vmem>>
    %dma_wait3A_70 = tpu.memref_squeeze %dma_wait3A_69 : memref<1x32xi32, #tpu.memory_space<vmem>> -> memref<32xi32, #tpu.memory_space<vmem>>
    %dma_wait3A_71 = arith.constant 0 : i32
    %dma_wait3A_72 = arith.constant 0 : i32
    %dma_wait3A_73 = tpu.memref_slice %arg5[%dma_wait3A_71, %dma_wait3A_72] : memref<6144x1024xf32, #tpu.memory_space<hbm>> -> memref<6144x1024xf32, #tpu.memory_space<hbm>>
    tpu.wait_indirect_dma semaphore(%arg13 : memref<!tpu.dma_semaphore, #tpu.memory_space<semaphore_mem>>) src(%arg9 : memref<32x1024xf32, #tpu.memory_space<vmem>>) dst(%dma_wait3A_73 : memref<6144x1024xf32, #tpu.memory_space<hbm>>)
    %dma_wait3A_74 = arith.constant 1 : i32
    %dma_wait3A_75 = arith.constant 0 : i32
    %dma_wait3A_76 = tpu.memref_slice %arg7[%dma_wait3A_74, %dma_wait3A_75] : memref<2x32xi32, #tpu.memory_space<vmem>> -> memref<1x32xi32, #tpu.memory_space<vmem>>
    %dma_wait3A_77 = tpu.memref_squeeze %dma_wait3A_76 : memref<1x32xi32, #tpu.memory_space<vmem>> -> memref<32xi32, #tpu.memory_space<vmem>>
    %dma_wait3A_78 = arith.constant 0 : i32
    %dma_wait3A_79 = arith.constant 0 : i32
    %dma_wait3A_80 = tpu.memref_slice %arg5[%dma_wait3A_78, %dma_wait3A_79] : memref<6144x1024xf32, #tpu.memory_space<hbm>> -> memref<6144x1024xf32, #tpu.memory_space<hbm>>
    tpu.wait_indirect_dma semaphore(%arg13 : memref<!tpu.dma_semaphore, #tpu.memory_space<semaphore_mem>>) src(%arg9 : memref<32x1024xf32, #tpu.memory_space<vmem>>) dst(%dma_wait3A_80 : memref<6144x1024xf32, #tpu.memory_space<hbm>>)
    return
  }
}

module attributes {stable_mosaic.version = 14 : i64} {
  func.func @_router_body(%arg0: memref<2048x1024xf32, #tpu.memory_space<vmem>>, %arg1: memref<8x1024xf32, #tpu.memory_space<vmem>>, %arg2: memref<4096xi32, #tpu.memory_space<vmem>>, %arg3: memref<24xi32, #tpu.memory_space<vmem>>, %arg4: memref<2048xf32, #tpu.memory_space<vmem>>, %arg5: memref<2048xf32, #tpu.memory_space<vmem>>, %arg6: memref<8x4096xf32, #tpu.memory_space<vmem>>) attributes {dimension_semantics = [], scalar_prefetch = 0 : i64, scratch_operands = 1 : i64, tpu.core_type = #tpu.core_type<tc>} {
    %get3A = arith.constant 0 : index
    %get3A_0 = arith.constant 0 : index
    %get3A_1 = vector.load %arg0[%get3A, %get3A_0] : memref<2048x1024xf32, #tpu.memory_space<vmem>>, vector<2048x1024xf32>
    %get3A_2 = arith.constant 0 : index
    %get3A_3 = arith.constant 0 : index
    %get3A_4 = vector.load %arg1[%get3A_2, %get3A_3] : memref<8x1024xf32, #tpu.memory_space<vmem>>, vector<8x1024xf32>
    %dot_general3A = arith.constant dense<0.000000e+00> : vector<8x2048xf32>
    %dot_general3A_5 = tpu.matmul %get3A_4, %get3A_1, %dot_general3A {dimension_numbers = #tpu.dot_dimension_numbers<[1], [1], [0], [0], [0, 0, 1, 0], [], []>, transpose_lhs_hint = false} : vector<8x1024xf32>, vector<2048x1024xf32>, vector<8x2048xf32> -> vector<8x2048xf32>
    %iota3A = tpu.iota {dimensions = array<i32: 0>} : vector<8x2048xi32>
    %argmax3A = tpu.reduce_index %dot_general3A_5 {axis = 0 : i32, kind = #tpu.reduction_kind<arg_max>} : vector<8x2048xf32> -> vector<2048xi32>
    %reduce_max3A = arith.constant dense<0xFF800000> : vector<2048xf32>
    %reduce_max3A_6 = vector.multi_reduction <maximumf>, %dot_general3A_5, %reduce_max3A [0] : vector<8x2048xf32> to vector<2048xf32>
    %broadcast_in_dim3A = vector.shape_cast %argmax3A : vector<2048xi32> to vector<1x2048xi32>
    %eq3A = vector.broadcast %broadcast_in_dim3A : vector<1x2048xi32> to vector<8x2048xi32>
    %eq3A_7 = arith.cmpi eq, %iota3A, %eq3A : vector<8x2048xi32>
    %jit3A = arith.constant 0xFF800000 : f32
    %broadcast_in_dim3A_8 = vector.broadcast %jit3A : f32 to vector<8x2048xf32>
    %select_n3A = arith.select %eq3A_7, %broadcast_in_dim3A_8, %dot_general3A_5 : vector<8x2048xi1>, vector<8x2048xf32>
    %argmax3A_9 = tpu.reduce_index %select_n3A {axis = 0 : i32, kind = #tpu.reduction_kind<arg_max>} : vector<8x2048xf32> -> vector<2048xi32>
    %reduce_max3A_10 = arith.constant dense<0xFF800000> : vector<2048xf32>
    %reduce_max3A_11 = vector.multi_reduction <maximumf>, %select_n3A, %reduce_max3A_10 [0] : vector<8x2048xf32> to vector<2048xf32>
    %sub3A = arith.subf %reduce_max3A_11, %reduce_max3A_6 : vector<2048xf32>
    %exp3A = math.exp %sub3A : vector<2048xf32>
    %add3A = arith.constant 1.000000e+00 : f32
    %add3A_12 = vector.broadcast %add3A : f32 to vector<2048xf32>
    %add3A_13 = arith.addf %add3A_12, %exp3A : vector<2048xf32>
    %div3A = arith.constant 1.000000e+00 : f32
    %div3A_14 = vector.broadcast %div3A : f32 to vector<2048xf32>
    %div3A_15 = arith.divf %div3A_14, %add3A_13 : vector<2048xf32>
    %swap3A = arith.constant 0 : index
    %swap3A_16 = vector.load %arg4[%swap3A] : memref<2048xf32, #tpu.memory_space<vmem>>, vector<2048xf32>
    tpu.vector_store %arg4[%swap3A], %div3A_15 {strides = array<i32>} : memref<2048xf32, #tpu.memory_space<vmem>>, vector<2048xf32>,
    %sub3A_17 = arith.constant 1.000000e+00 : f32
    %sub3A_18 = vector.broadcast %sub3A_17 : f32 to vector<2048xf32>
    %sub3A_19 = arith.subf %sub3A_18, %div3A_15 : vector<2048xf32>
    %swap3A_20 = arith.constant 0 : index
    %swap3A_21 = vector.load %arg5[%swap3A_20] : memref<2048xf32, #tpu.memory_space<vmem>>, vector<2048xf32>
    tpu.vector_store %arg5[%swap3A_20], %sub3A_19 {strides = array<i32>} : memref<2048xf32, #tpu.memory_space<vmem>>, vector<2048xf32>,
    %broadcast_in_dim3A_22 = vector.shape_cast %argmax3A : vector<2048xi32> to vector<1x2048xi32>
    %eq3A_23 = vector.broadcast %broadcast_in_dim3A_22 : vector<1x2048xi32> to vector<8x2048xi32>
    %eq3A_24 = arith.cmpi eq, %iota3A, %eq3A_23 : vector<8x2048xi32>
    %convert_element_type3A = arith.extui %eq3A_24 : vector<8x2048xi1> to vector<8x2048xi32>
    %convert_element_type3A_25 = arith.sitofp %convert_element_type3A : vector<8x2048xi32> to vector<8x2048xf32>
    %broadcast_in_dim3A_26 = vector.shape_cast %argmax3A_9 : vector<2048xi32> to vector<1x2048xi32>
    %eq3A_27 = vector.broadcast %broadcast_in_dim3A_26 : vector<1x2048xi32> to vector<8x2048xi32>
    %eq3A_28 = arith.cmpi eq, %iota3A, %eq3A_27 : vector<8x2048xi32>
    %convert_element_type3A_29 = arith.extui %eq3A_28 : vector<8x2048xi1> to vector<8x2048xi32>
    %convert_element_type3A_30 = arith.sitofp %convert_element_type3A_29 : vector<8x2048xi32> to vector<8x2048xf32>
    %concatenate3A = tpu.concatenate %convert_element_type3A_25, %convert_element_type3A_30 in 1 : vector<8x2048xf32>, vector<8x2048xf32> -> vector<8x4096xf32>
    %swap3A_31 = arith.constant 0 : index
    %swap3A_32 = arith.constant 0 : index
    %swap3A_33 = vector.load %arg6[%swap3A_31, %swap3A_32] : memref<8x4096xf32, #tpu.memory_space<vmem>>, vector<8x4096xf32>
    tpu.vector_store %arg6[%swap3A_31, %swap3A_32], %concatenate3A {strides = array<i32>} : memref<8x4096xf32, #tpu.memory_space<vmem>>, vector<8x4096xf32>,
    %reduce_sum3A = arith.constant dense<0.000000e+00> : vector<8xf32>
    %reduce_sum3A_34 = vector.multi_reduction <add>, %convert_element_type3A_25, %reduce_sum3A [1] : vector<8x2048xf32> to vector<8xf32>
    %reduce_sum3A_35 = arith.constant dense<0.000000e+00> : vector<8xf32>
    %reduce_sum3A_36 = vector.multi_reduction <add>, %convert_element_type3A_30, %reduce_sum3A_35 [1] : vector<8x2048xf32> to vector<8xf32>
    %add3A_37 = arith.addf %reduce_sum3A_34, %reduce_sum3A_36 : vector<8xf32>
    %mul3A = arith.constant 3.906250e-03 : f32
    %mul3A_38 = vector.broadcast %mul3A : f32 to vector<8xf32>
    %mul3A_39 = arith.mulf %add3A_37, %mul3A_38 : vector<8xf32>
    %ceil3A = math.ceil %mul3A_39 : vector<8xf32>
    %mul3A_40 = arith.constant 2.560000e+02 : f32
    %mul3A_41 = vector.broadcast %mul3A_40 : f32 to vector<8xf32>
    %mul3A_42 = arith.mulf %ceil3A, %mul3A_41 : vector<8xf32>
    %iota3A_43 = tpu.iota {dimensions = array<i32: 0>} : vector<8x8xi32>
    %iota3A_44 = tpu.iota {dimensions = array<i32: 1>} : vector<8x8xi32>
    %le3A = arith.cmpi sle, %iota3A_43, %iota3A_44 : vector<8x8xi32>
    %convert_element_type3A_45 = arith.extui %le3A : vector<8x8xi1> to vector<8x8xi32>
    %convert_element_type3A_46 = arith.sitofp %convert_element_type3A_45 : vector<8x8xi32> to vector<8x8xf32>
    %reshape3A = vector.shape_cast %mul3A_42 : vector<8xf32> to vector<1x8xf32>
    %dot_general3A_47 = arith.constant dense<0.000000e+00> : vector<1x8xf32>
    %dot_general3A_48 = tpu.matmul %reshape3A, %convert_element_type3A_46, %dot_general3A_47 {dimension_numbers = #tpu.dot_dimension_numbers<[1], [0], [0], [1], [0, 0, 1, 1], [], []>, transpose_lhs_hint = false} : vector<1x8xf32>, vector<8x8xf32>, vector<1x8xf32> -> vector<1x8xf32>
    %reshape3A_49 = vector.shape_cast %dot_general3A_48 : vector<1x8xf32> to vector<8xf32>
    %sub3A_50 = arith.subf %reshape3A_49, %mul3A_42 : vector<8xf32>
    %iota3A_51 = tpu.iota {dimensions = array<i32: 0>} : vector<128x128xi32>
    %iota3A_52 = tpu.iota {dimensions = array<i32: 1>} : vector<128x128xi32>
    %le3A_53 = arith.cmpi sle, %iota3A_51, %iota3A_52 : vector<128x128xi32>
    %convert_element_type3A_54 = arith.extui %le3A_53 : vector<128x128xi1> to vector<128x128xi32>
    %convert_element_type3A_55 = arith.sitofp %convert_element_type3A_54 : vector<128x128xi32> to vector<128x128xf32>
    %broadcast_in_dim3A_56 = vector.shape_cast %sub3A_50 : vector<8xf32> to vector<8x1xf32>
    %broadcast_in_dim3A_57 = vector.shape_cast %broadcast_in_dim3A_56 : vector<8x1xf32> to vector<8x1xf32>
    %broadcast_in_dim3A_58 = vector.broadcast %broadcast_in_dim3A_57 : vector<8x1xf32> to vector<8x128xf32>
    %broadcast_in_dim3A_59 = arith.constant 0.000000e+00 : f32
    %broadcast_in_dim3A_60 = vector.broadcast %broadcast_in_dim3A_59 : f32 to vector<8xf32>
    %scan3A = arith.constant 0 : i32
    %scan3A_61 = arith.constant 32 : i32
    %scan3A_62 = arith.addi %scan3A, %scan3A_61 : i32
    %scan3A_63 = arith.constant 1 : i32
    %scan3A_64 = scf.for %scan3A_82 = %scan3A to %scan3A_62 step %scan3A_63 iter_args(%scan3A_83 = %broadcast_in_dim3A_60) -> (vector<8xf32>)  : i32 {
      %mul3A_84 = arith.constant 128 : i32
      %mul3A_85 = arith.muli %scan3A_82, %mul3A_84 : i32
      %get3A_86 = arith.constant 0 : index
      %get3A_87 = arith.index_cast %mul3A_85 : i32 to index
      %get3A_88 = vector.load %arg6[%get3A_86, %get3A_87] : memref<8x4096xf32, #tpu.memory_space<vmem>>, vector<8x128xf32>
      %dot_general3A_89 = arith.constant dense<0.000000e+00> : vector<8x128xf32>
      %dot_general3A_90 = tpu.matmul %get3A_88, %convert_element_type3A_55, %dot_general3A_89 {dimension_numbers = #tpu.dot_dimension_numbers<[1], [0], [0], [1], [0, 0, 1, 1], [], []>, transpose_lhs_hint = false} : vector<8x128xf32>, vector<128x128xf32>, vector<8x128xf32> -> vector<8x128xf32>
      %broadcast_in_dim3A_91 = vector.shape_cast %scan3A_83 : vector<8xf32> to vector<8x1xf32>
      %add3A_92 = vector.broadcast %broadcast_in_dim3A_91 : vector<8x1xf32> to vector<8x128xf32>
      %add3A_93 = arith.addf %dot_general3A_90, %add3A_92 : vector<8x128xf32>
      %add3A_94 = arith.addf %broadcast_in_dim3A_58, %add3A_93 : vector<8x128xf32>
      %mul3A_95 = arith.mulf %get3A_88, %add3A_94 : vector<8x128xf32>
      %reduce_sum3A_96 = arith.constant dense<0.000000e+00> : vector<128xf32>
      %reduce_sum3A_97 = vector.multi_reduction <add>, %mul3A_95, %reduce_sum3A_96 [0] : vector<8x128xf32> to vector<128xf32>
      %sub3A_98 = arith.constant 1.000000e+00 : f32
      %sub3A_99 = vector.broadcast %sub3A_98 : f32 to vector<128xf32>
      %sub3A_100 = arith.subf %reduce_sum3A_97, %sub3A_99 : vector<128xf32>
      %convert_element_type3A_101 = arith.fptosi %sub3A_100 : vector<128xf32> to vector<128xi32>
      %mul3A_102 = arith.constant 128 : i32
      %mul3A_103 = arith.muli %scan3A_82, %mul3A_102 : i32
      %swap3A_104 = arith.index_cast %mul3A_103 : i32 to index
      %swap3A_105 = vector.load %arg2[%swap3A_104] : memref<4096xi32, #tpu.memory_space<vmem>>, vector<128xi32>
      tpu.vector_store %arg2[%swap3A_104], %convert_element_type3A_101 {strides = array<i32>} : memref<4096xi32, #tpu.memory_space<vmem>>, vector<128xi32>,
      %reduce_sum3A_106 = arith.constant dense<0.000000e+00> : vector<8xf32>
      %reduce_sum3A_107 = vector.multi_reduction <add>, %get3A_88, %reduce_sum3A_106 [1] : vector<8x128xf32> to vector<8xf32>
      %add3A_108 = arith.addf %scan3A_83, %reduce_sum3A_107 : vector<8xf32>
      scf.yield %add3A_108 : vector<8xf32>
    }
    %scan3A_65 = arith.constant 32 : i32
    %iota3A_66 = tpu.iota {dimensions = array<i32: 1>} : vector<8x24xi32>
    %convert_element_type3A_67 = arith.sitofp %iota3A_66 : vector<8x24xi32> to vector<8x24xf32>
    %mul3A_68 = arith.constant 2.560000e+02 : f32
    %mul3A_69 = vector.broadcast %mul3A_68 : f32 to vector<8x24xf32>
    %mul3A_70 = arith.mulf %convert_element_type3A_67, %mul3A_69 : vector<8x24xf32>
    %broadcast_in_dim3A_71 = vector.shape_cast %reshape3A_49 : vector<8xf32> to vector<8x1xf32>
    %broadcast_in_dim3A_72 = vector.shape_cast %broadcast_in_dim3A_71 : vector<8x1xf32> to vector<8x1xf32>
    %broadcast_in_dim3A_73 = vector.broadcast %broadcast_in_dim3A_72 : vector<8x1xf32> to vector<8x24xf32>
    %le3A_74 = arith.cmpf ole, %broadcast_in_dim3A_73, %mul3A_70 : vector<8x24xf32>
    %convert_element_type3A_75 = arith.extui %le3A_74 : vector<8x24xi1> to vector<8x24xi32>
    %reduce_sum3A_76 = arith.constant dense<0> : vector<24xi32>
    %reduce_sum3A_77 = vector.multi_reduction <add>, %convert_element_type3A_75, %reduce_sum3A_76 [0] : vector<8x24xi32> to vector<24xi32>
    %min3A = arith.constant 7 : i32
    %min3A_78 = vector.broadcast %min3A : i32 to vector<24xi32>
    %min3A_79 = arith.minsi %reduce_sum3A_77, %min3A_78 : vector<24xi32>
    %swap3A_80 = arith.constant 0 : index
    %swap3A_81 = vector.load %arg3[%swap3A_80] : memref<24xi32, #tpu.memory_space<vmem>>, vector<24xi32>
    tpu.vector_store %arg3[%swap3A_80], %min3A_79 {strides = array<i32>} : memref<24xi32, #tpu.memory_space<vmem>>, vector<24xi32>,
    return
  }
}

module attributes {stable_mosaic.version = 14 : i64} {
  func.func @_mlp_body(%arg0: i32, %arg1: memref<24xi32, #tpu.memory_space<smem>>, %arg2: memref<256x1024xf32, #tpu.memory_space<vmem>>, %arg3: memref<1x2048x1024xf32, #tpu.memory_space<vmem>>, %arg4: memref<1x1024x1024xbf16, #tpu.memory_space<vmem>>, %arg5: memref<256x1024xf32, #tpu.memory_space<vmem>>) attributes {dimension_semantics = [#tpu.dimension_semantics<arbitrary>], iteration_bounds = array<i64: 24>, scalar_prefetch = 1 : i64, scratch_operands = 0 : i64, tpu.core_type = #tpu.core_type<tc>, window_params = [{transform_indices = @transform_0, window_bounds = array<i64: 256, 1024>}, {transform_indices = @transform_1, window_bounds = array<i64: 1, 2048, 1024>}, {transform_indices = @transform_2, window_bounds = array<i64: 1, 1024, 1024>}, {transform_indices = @transform_3, window_bounds = array<i64: 256, 1024>}]} {
    %get3A = arith.constant 0 : index
    %get3A_0 = arith.constant 0 : index
    %get3A_1 = vector.load %arg2[%get3A, %get3A_0] : memref<256x1024xf32, #tpu.memory_space<vmem>>, vector<256x1024xf32>
    %get3A_2 = arith.constant 0 : index
    %get3A_3 = arith.constant 0 : index
    %get3A_4 = arith.constant 0 : index
    %get3A_5 = vector.load %arg3[%get3A_2, %get3A_3, %get3A_4] : memref<1x2048x1024xf32, #tpu.memory_space<vmem>>, vector<1x2048x1024xf32>
    %get3A_6 = vector.shape_cast %get3A_5 : vector<1x2048x1024xf32> to vector<2048x1024xf32>
    %dot_general3A = arith.constant dense<0.000000e+00> : vector<256x2048xf32>
    %dot_general3A_7 = tpu.matmul %get3A_1, %get3A_6, %dot_general3A {dimension_numbers = #tpu.dot_dimension_numbers<[1], [1], [0], [0], [0, 0, 1, 0], [], []>, transpose_lhs_hint = false} : vector<256x1024xf32>, vector<2048x1024xf32>, vector<256x2048xf32> -> vector<256x2048xf32>
    %slice3A = vector.extract_strided_slice %dot_general3A_7 {offsets = [0, 0], sizes = [256, 1024], strides = [1, 1]} : vector<256x2048xf32> to vector<256x1024xf32>
    %slice3A_8 = vector.extract_strided_slice %dot_general3A_7 {offsets = [0, 1024], sizes = [256, 1024], strides = [1, 1]} : vector<256x2048xf32> to vector<256x1024xf32>
    %logistic3A = arith.negf %slice3A : vector<256x1024xf32>
    %logistic3A_9 = math.exp %logistic3A : vector<256x1024xf32>
    %logistic3A_10 = arith.constant 1.000000e+00 : f32
    %logistic3A_11 = vector.broadcast %logistic3A_10 : f32 to vector<256x1024xf32>
    %logistic3A_12 = arith.addf %logistic3A_11, %logistic3A_9 : vector<256x1024xf32>
    %logistic3A_13 = arith.divf %logistic3A_11, %logistic3A_12 : vector<256x1024xf32>
    %mul3A = arith.mulf %slice3A, %logistic3A_13 : vector<256x1024xf32>
    %mul3A_14 = arith.mulf %mul3A, %slice3A_8 : vector<256x1024xf32>
    %get3A_15 = arith.constant 0 : index
    %get3A_16 = arith.constant 0 : index
    %get3A_17 = arith.constant 0 : index
    %get3A_18 = vector.load %arg4[%get3A_15, %get3A_16, %get3A_17] : memref<1x1024x1024xbf16, #tpu.memory_space<vmem>>, vector<1x1024x1024xbf16>
    %get3A_19 = vector.shape_cast %get3A_18 : vector<1x1024x1024xbf16> to vector<1024x1024xbf16>
    %convert_element_type3A = arith.truncf %mul3A_14 : vector<256x1024xf32> to vector<256x1024xbf16>
    %dot_general3A_20 = arith.constant dense<0.000000e+00> : vector<256x1024xf32>
    %dot_general3A_21 = tpu.matmul %convert_element_type3A, %get3A_19, %dot_general3A_20 {dimension_numbers = #tpu.dot_dimension_numbers<[1], [1], [0], [0], [0, 0, 1, 0], [], []>, transpose_lhs_hint = false} : vector<256x1024xbf16>, vector<1024x1024xbf16>, vector<256x1024xf32> -> vector<256x1024xf32>
    %swap3A = arith.constant 0 : index
    %swap3A_22 = arith.constant 0 : index
    %swap3A_23 = vector.load %arg5[%swap3A, %swap3A_22] : memref<256x1024xf32, #tpu.memory_space<vmem>>, vector<256x1024xf32>
    tpu.vector_store %arg5[%swap3A, %swap3A_22], %dot_general3A_21 {strides = array<i32>} : memref<256x1024xf32, #tpu.memory_space<vmem>>, vector<256x1024xf32>,
    return
  }
  func.func @transform_0(%arg0: i32, %arg1: memref<24xi32, #tpu.memory_space<smem>>) -> (i32, i32) {
    %c0_i32 = arith.constant 0 : i32
    %c0_i32_0 = arith.constant 0 : i32
    return %arg0, %c0_i32 : i32, i32
  }
  func.func @transform_1(%arg0: i32, %arg1: memref<24xi32, #tpu.memory_space<smem>>) -> (i32, i32, i32) {
    %get3A = arith.index_cast %arg0 : i32 to index
    %get3A_0 = memref.load %arg1[%get3A] : memref<24xi32, #tpu.memory_space<smem>>
    %c0_i32 = arith.constant 0 : i32
    %c0_i32_1 = arith.constant 0 : i32
    %c0_i32_2 = arith.constant 0 : i32
    return %get3A_0, %c0_i32, %c0_i32_1 : i32, i32, i32
  }
  func.func @transform_2(%arg0: i32, %arg1: memref<24xi32, #tpu.memory_space<smem>>) -> (i32, i32, i32) {
    %get3A = arith.index_cast %arg0 : i32 to index
    %get3A_0 = memref.load %arg1[%get3A] : memref<24xi32, #tpu.memory_space<smem>>
    %c0_i32 = arith.constant 0 : i32
    %c0_i32_1 = arith.constant 0 : i32
    %c0_i32_2 = arith.constant 0 : i32
    return %get3A_0, %c0_i32, %c0_i32_1 : i32, i32, i32
  }
  func.func @transform_3(%arg0: i32, %arg1: memref<24xi32, #tpu.memory_space<smem>>) -> (i32, i32) {
    %c0_i32 = arith.constant 0 : i32
    %c0_i32_0 = arith.constant 0 : i32
    return %arg0, %c0_i32 : i32, i32
  }
}

</mosaic_0001>

<sc_bundles>
// kernel: kernel.6.cloned.1.call-start
scs
__scs_entry_jumppad:
0x0: {  	(pc) =	sbr.rel $0x88, $3  }
0x1: {  	(tag) =	ssettag $0x0;
	lr =	simm.s32 $0x1  }
0x2: {  	[smem:$0x3F9D] =	sst lr;
	_ =	strace $0xD0000000  }
0x3: {  	_ = 	snop  }
0x4: {  	_ = 	snop  }
0x5: {  	_ = 	snop  }
0x6: {  	_ = 	snop  }
0x7: {  	_ = 	snop  }
__scs_overlays_trampoline_lowered:
0x8: {  	[smem:$0x3FAC] =	sst s0  }
0x9: {  	[smem:$0x3FAD] =	sst s1  }
0xa: {  	[smem:$0x3FAE] =	sst s2  }
0xb: {  	[smem:$0x3FAF] =	sst s3  }
0xc: {  	[smem:$0x3FB0] =	sst s4  }
0xd: {  	[smem:$0x3FB1] =	sst s5  }
0xe: {  	[smem:$0x3FB2] =	sst s6  }
0xf: {  	[smem:$0x3FB3] =	sst s7  }
0x10: {  	[smem:$0x3FB4] =	sst s8  }
0x11: {  	[smem:$0x3FB5] =	sst s9;
	s0 =	simm.s32 @!p0 $0x0  }
0x12: {  	s1 =	sld [smem:$0x3F9B];
	s0 =	simm.s32 @p0 $0x1  }
0x13: {  	[smem:$0x3FB6] =	sst s0;
	s0 =	simm.s32 @!p1 $0x0  }
0x14: {  	s2 =	sld [smem:$0x3F9A];
	s0 =	simm.s32 @p1 $0x1  }
0x15: {  	[smem:$0x3FB7] =	sst s0;
	s0 =	simm.s32 @!p2 $0x0  }
0x16: {  	s3 =	sld [smem:$0x3FDB];
	s0 =	simm.s32 @p2 $0x1  }
0x17: {  	s4 =	simm.s32 $0x1BF5;
	[smem:$0x3FB9] =	sst s0  }
0x18: {  	s0 =	sld [smem:$0x3F9C];
	_ =	swait.ge [sflag:s4], $0x0  }
0x19: {  	s7 =	sld [smem:$0x3F9D]  }
0x1a: {  	s8 =	sadd.s32 $0xFFFFE003, lr  }
0x1b: {  	s9 =	sadd.s32 $0xFFFFFEF7, lr;
	s5 =	simm.s32 $0xFFFFFFFF;
	p2 =	slt.u32 s8, $0xFFFFF086  }
0x1c: {  	p1 =	slt.u32 s9, $0xF7A;
	s5 =	simm.s32 @!p2 $0x0  }
0x1d: {  	s5 =	simm.s32 @p1 $0x1;
	p0 =	seq.s32 s7, s2  }
0x1e: {  	s7 =	smul.u32 @!p0 $0xF7A, s2;
	p2 =	seq.s32 @!p0 s5, $0x0  }
0x1f: {  	s9 =	smul.u32 $0xF7A, s1;
	s8 =	simm.s32 @!p0 $0x1BF5;
	p2 =	por !p2, p0  }
0x20: {  	[sflag:s8] =	ssyncset.s32 @!p0 $0xFFFFF086;
	s6 =	sadd.s32 @!p0 s3, s7;
	s7 =	simm.s32 @!p0 $0x108  }
0x21: {  	s3 =	sadd.s32 s3, s9;
	s6 =	sadd.s32 @!p0 $0x88, s6;
	s7 =	simm.s32 @p2 $0x1082  }
0x22: {  	[simem:s7], [sflag:s8] =	dma.local @!p0 [hbm:s6], $0xF7A  }
0x23: {  	s9 =	sor.u32 $0xD0000000, s2;
	s6 =	simm.s32 $0x108;
	_ =	swait.ge @!p0 [sflag:s8], $0x0  }
0x24: {  	s3 =	sadd.s32 $0x88, s3;
	s6 =	simm.s32 @!p1 $0x1082;
	[sflag:s4] =	ssyncset.s32 $0xFFFFF086  }
0x25: {  	[simem:s6], [sflag:s4] =	dma.local [hbm:s3], $0xF7A  }
0x26: {  	[smem:$0x3F9D] =	sst s1;
	(tag) =	ssettag s2;
	_ =	strace s9  }
0x27: {  	s1 =	sld [smem:$0x3FAD]  }
0x28: {  	s2 =	sld [smem:$0x3FAE]  }
0x29: {  	s4 =	sld [smem:$0x3FB0]  }
0x2a: {  	p0 =	seq.s32 s5, $0x0;
	s5 =	sld [smem:$0x3FB1]  }
0x2b: {  	s6 =	sld [smem:$0x3FB2]  }
0x2c: {  	s7 =	sld [smem:$0x3FB3]  }
0x2d: {  	s3 =	simm.s32 $0x108;
	s8 =	sld [smem:$0x3FB4]  }
0x2e: {  	s3 =	simm.s32 @!p0 $0x1082;
	s9 =	sld [smem:$0x3FB5]  }
0x2f: {  	lr =	sadd.s32 s0, s3;
	s0 =	sld [smem:$0x3FAC]  }
0x30: {  	s3 =	sld [smem:$0x3FAF]  }
0x31: {  	[smem:$0x3FB8] =	sst s10  }
0x32: {  	s10 =	sld [smem:$0x3FB6];
	_ =	sdelay $0x3  }
0x33: {  	p0 =	seq.s32 s10, $0x1;
	s10 =	sld [smem:$0x3FB8];
	_ =	sdelay $0x3  }
0x34: {  	[smem:$0x3FB8] =	sst s10  }
0x35: {  	s10 =	sld [smem:$0x3FB7];
	_ =	sdelay $0x3  }
0x36: {  	p1 =	seq.s32 s10, $0x1;
	s10 =	sld [smem:$0x3FB8];
	_ =	sdelay $0x3  }
0x37: {  	[smem:$0x3FB8] =	sst s10  }
0x38: {  	s10 =	sld [smem:$0x3FB9]  }
0x39: {  	_ = 	snop;
	(pc) =	sbr.ind lr, $3  }
0x3a: {  	_ = 	snop  }
0x3b: {  	_ = 	snop  }
0x3c: {  	p2 =	seq.s32 s10, $0x1;
	s10 =	sld [smem:$0x3FB8]  }
0x3d: {  	_ =	shalt  }
0x3e: {  	_ =	shalt  }
0x3f: {  	_ =	shalt  }
0x40: {  	_ =	shalt  }
0x41: {  	_ =	shalt  }
0x42: {  	_ =	shalt  }
0x43: {  	_ =	shalt  }
0x44: {  	_ =	shalt  }
0x45: {  	_ =	shalt  }
0x46: {  	_ =	shalt  }
0x47: {  	_ =	shalt  }
0x48: {  	_ =	shalt  }
0x49: {  	_ =	shalt  }
0x4a: {  	_ =	shalt  }
0x4b: {  	_ =	shalt  }
0x4c: {  	_ =	shalt  }
0x4d: {  	_ =	shalt  }
0x4e: {  	_ =	shalt  }
0x4f: {  	_ =	shalt  }
0x50: {  	_ =	shalt  }
0x51: {  	_ =	shalt  }
0x52: {  	_ =	shalt  }
0x53: {  	_ =	shalt  }
0x54: {  	_ =	shalt  }
0x55: {  	_ =	shalt  }
0x56: {  	_ =	shalt  }
0x57: {  	_ =	shalt  }
0x58: {  	_ =	shalt  }
0x59: {  	_ =	shalt  }
0x5a: {  	_ =	shalt  }
0x5b: {  	_ =	shalt  }
0x5c: {  	_ =	shalt  }
0x5d: {  	_ =	shalt  }
0x5e: {  	_ =	shalt  }
0x5f: {  	_ =	shalt  }
0x60: {  	_ =	shalt  }
0x61: {  	_ =	shalt  }
0x62: {  	_ =	shalt  }
0x63: {  	_ =	shalt  }
0x64: {  	_ =	shalt  }
0x65: {  	_ =	shalt  }
0x66: {  	_ =	shalt  }
0x67: {  	_ =	shalt  }
0x68: {  	_ =	shalt  }
0x69: {  	_ =	shalt  }
0x6a: {  	_ =	shalt  }
0x6b: {  	_ =	shalt  }
0x6c: {  	_ =	shalt  }
0x6d: {  	_ =	shalt  }
0x6e: {  	_ =	shalt  }
0x6f: {  	_ =	shalt  }
0x70: {  	_ =	shalt  }
0x71: {  	_ =	shalt  }
0x72: {  	_ =	shalt  }
0x73: {  	_ =	shalt  }
0x74: {  	_ =	shalt  }
0x75: {  	_ =	shalt  }
0x76: {  	_ =	shalt  }
0x77: {  	_ =	shalt  }
0x78: {  	_ =	shalt  }
0x79: {  	_ =	shalt  }
0x7a: {  	_ =	shalt  }
0x7b: {  	_ =	shalt  }
0x7c: {  	_ =	shalt  }
0x7d: {  	_ =	shalt  }
0x7e: {  	_ =	shalt  }
0x7f: {  	_ =	shalt  }
0x80: {  	_ =	shalt  }
0x81: {  	_ =	shalt  }
0x82: {  	_ =	shalt  }
0x83: {  	_ =	shalt  }
0x84: {  	_ =	shalt  }
0x85: {  	_ =	shalt  }
0x86: {  	_ =	shalt  }
0x87: {  	_ =	shalt  }
.Lfunc_end0:
.L_simem_size_0:
called_computation_lowered:
.L_overlay_start_0:
0x88: {  	s2 =	sld [smem:$0x3FD9]  }
0x89: {  	s3 =	sld [smem:$0x3FFE];
	_ =	sdelay $0x1  }
0x8a: {  	s1 =	srdreg.scid  }
0x8b: {  	s0 =	sand.u32 $0x1, s1  }
0x8c: {  	s17 =	sshll.u32 s0, $0xA;
	s2 =	sadd.s32 s3, s2  }
0x8d: {  	s2 =	sadd.s32 s2, s17  }
0x8e: {  	[smem:$0x3FC4] =	sst s2  }
0x8f: {  	_ = 	snop  }
0x90: {  	s2 =	sld [smem:$0x3FC9]  }
0x91: {  	s18 =	sld [smem:$0x3FD0];
	(tm) =	ssettm $0x1  }
0x92: {  	s4 =	sld [smem:$0x3FFB];
	_ =	sdelay $0x3  }
0x93: {  	_ =	strace s4  }
0x94: {  	s4 =	sld [smem:$0x3FFC];
	_ =	sdelay $0x3  }
0x95: {  	_ =	strace s4  }
0x96: {  	s4 =	sld [smem:$0x3FFD];
	_ =	sdelay $0x3  }
0x97: {  	_ =	strace s4  }
0x98: {  	_ =	strace $0x8FFFFFFF  }
0x99: {  	s19 =	sld [smem:$0x3FDB];
	_ =	sdelay $0x1  }
0x9a: {  	s5 =	simm.s32 $_scs_section_size  }
0x9b: {  	s6 =	simm.s32 $_size__tile_overlayer_lowered;
	s7 =	simm.s32 $_tile_overlayer_lowered  }
0x9c: {  	s22 =	simm.s32 $0x1BFF;
	s21 =	sshll.u32 s7, $0x1;
	s4 =	sadd.s32 s5, s19  }
0x9d: {  	s8 =	simm.s32 $0x0;
	s20 =	sshll.u32 s6, $0x1;
	s6 =	sadd.s32 s21, s4  }
0x9e: {  	[timem:s8], [sflag:s22] =	dma.local [hbm:s6], s20  }
0x9f: {  	_ =	swait.ge [sflag:s22], s20  }
0xa0: {  	s5 =	ssub.s32 $0x0, s20;
	[sflag:s22] =	ssyncset.done $0x0  }
0xa1: {  	[sflag:s22] =	ssyncadd.s32 s5;
	_ =	sdelay $0x1  }
0xa2: {  	s23 =	simm.s32 $0x1B8B  }
0xa3: {  	_ =	swait.ge [sflag:s23], $0x1  }
0xa4: {  	[sflag:s23] =	ssyncset.done $0x0  }
0xa5: {  	s25 =	simm.s32 $0x1B8E;
	s24 =	sld [smem:$0x3FFE];
	[sflag:s23] =	ssyncadd.s32 $0xFFFFFFFF  }
0xa6: {  	s26 =	simm.s32 $execute0_lowered;
	[smem:$0x3FD2] =	sst s25  }
0xa7: {  	s6 =	sshll.u32 s26, $0x1;
	_ =	strace $0x80000046;
	[dreg:$0x1] =	wrdreg $0xFFFFFFFF  }
0xa8: {  	s28 =	simm.s32 $_size_execute0_lowered;
	s4 =	sadd.s32 s4, s6;
	[dreg:$0x0] =	wrdreg $0x0  }
0xa9: {  	s6 =	sshll.u32 s28, $0x1;
	[dreg:$0x2] =	wrdreg s4  }
0xaa: {  	[dreg:$0x3] =	wrdreg s6  }
0xab: {  	[dreg:$0x4] =	wrdreg $0xC0  }
0xac: {  	_ =	task [dreg:s8], $0x5FFFF  }
0xad: {  	[dreg:$0x1] =	wrdreg $0xFFFFFFFF  }
0xae: {  	[dreg:$0x0] =	wrdreg $0x60  }
0xaf: {  	[dreg:$0x2] =	wrdreg s2  }
0xb0: {  	[dreg:$0x3] =	wrdreg s18  }
0xb1: {  	[dreg:$0x4] =	wrdreg s24  }
0xb2: {  	[dreg:$0x5] =	wrdreg $0x9  }
0xb3: {  	_ =	task.clear_ibuf [dreg:s8], $0x6FFFF;
	_ =	strace $0x90000046  }
0xb4: {  	s29 =	simm.s32 $0x9;
	_ =	strace $0x80000048  }
0xb5: {  	_ =	swait.ge [sflag:s29], $0x1  }
0xb6: {  	[sflag:s29] =	ssyncadd.s32 $0xFFFFFFFF  }
0xb7: {  	_ =	strace $0x90000048  }
0xb8: {  	_ =	sfence  }
0xb9: {  	s30 =	sld [smem:$0x0];
	_ =	sdelay $0x2  }
0xba: {  	s31 =	sshll.u32 s1, $0xD;
	s1 =	sshrl.u32 s1, $0x2  }
0xbb: {  	s3 =	sand.u32 $0x4000, s31;
	s1 =	sadd.s32 s1, s30  }
0xbc: {  	s0 =	sor.u32 s3, s0;
	s1 =	sshll.u32 s1, $0x11  }
0xbd: {  	s0 =	sor.u32 s1, s0  }
0xbe: {  	s0 =	sadd.s32 $0x8F2B, s0  }
0xbf: {  	[sflag:s0] =	ssyncadd.remote.s32 $0x1  }
0xc0: {  	_ =	sfence.sel $0xFFFF  }
0xc1: {  	[dreg:$0x0] =	wrdreg $0xFFFFFFFF;
	(pc) =	sbr.abs _section_cstart, $3  }
0xc2: {  	[dreg:$0x1] =	wrdreg $0xFFFFFFFF  }
0xc3: {  	_ =	task.clear_ibuf [dreg:s8], $0x2FFFF;
	_ =	strace $0x9FFFFFFF  }
0xc4: {  	(tm) =	ssettm $0x7FFFFFFF  }
0xc5: {  	_ =	shalt  }
tec
execute0_lowered:
.L_overlay_start_1:
0x0: {  	(tag) =	ssettag $0x1  }
0x1: {  	s0 =	rddreg [dreg:$0x0]  }
0x2: {  	s1 =	rddreg [dreg:$0x1];
	s2 =	srdreg.scid  }
0x3: {  	s3 =	stileid.u32;
	s4 =	rddreg [dreg:$0x2];
	s26 =	simm.s32 $0x100  }
0x4: {  	s9 =	simm.s32 $0x5;
	s10 =	simm.s32 $0x200;
	s11 =	simm.s32 $0x8200  }
0x5: {  	s12 =	simm.s32 $0x1;
	s29 =	simm.s32 $0x2;
	s20 =	simm.s32 $0xEA00  }
0x6: {  	s21 =	simm.s32 $0xF200;
	s22 =	simm.s32 $0xFA00;
	s28 =	simm.s32 $0x1A00  }
0x7: {  	s30 =	simm.s32 $0x2200;
	s5 =	sand.u32 $0x1, s2;
	s3 =	sshll.u32 s3, $0x1  }
0x8: {  	s31 =	simm.s32 $0x2A00;
	s2 =	simm.s32 $0x0;
	s6 =	sor.u32 s5, s3  }
0x9: {  	[smem:$0x7FF] =	sst s2;
	s3 =	sadd.s32 $0x1200, s4;
	s5 =	ssub.s32 $0x2, s5  }
0xa: {  	s7 =	sshll.u32 s6, $0x5;
	_ =	strace $0x80000047;
	s6 =	sshll.u32 s6, $0xD  }
0xb: {  	s24 =	sshrl.u32 s5, $0x1;
	[dreg:$0x7] =	wrdreg s26;
	s8 =	sadd.s32 s7, s4  }
0xc: {  	s1 =	sadd.s32 s1, s7;
	s6 =	sadd.s32 s0, s6;
	s0 =	ssub.s32 s5, s24  }
0xd: {  	s5 =	sadd.s32 $0x1300, s4;
	s7 =	sadd.s32 $0x1500, s4;
	[dreg:$0x4] =	wrdreg s1  }
0xe: {  	v2 =	vlaneseq.u32;
	s24 =	simm.s32 $0x4;
	s23 =	sadd.s32 $0xE00, s8;
	[dreg:$0x8] =	wrdreg s6  }
0xf: {  	vm0 =	vmmov $0xffff;
	v1 =	vshrl.u32 v2, $0x3;
	s25 =	sadd.s32 $0x1000, s6;
	s6 =	sadd.s32 $0x1400, s4;
	[dreg:$0x5] =	wrdreg s23  }
0x10: {  	v0 =	vand.u32 $0x7, v2;
	v2 =	vor.u32 $0x8, v2;
	v1 =	vmul.u32 $0x8, v1;
	s8 =	smax.u32 s0, $0x1;
	[dreg:$0x6] =	wrdreg s25;
	s23 =	simm.s32 $0x3  }
.LBB2_1:
0x11: {  	s25 =	rddreg [dreg:$0x4]  }
0x12: {  	[tilespmem:s2], [sflag:$0x5] =	stream.linear.gather [hbm4b:s25+s2], $0x100, $0x38;
	[tilespmem:$0x10200] =	vst v63  }
0x13: {  	_ =	swait.ge [sflag:s9], $0x100  }
0x14: {  	s17 =	rddreg [dreg:$0x5];
	[sflag:s9] =	ssyncset.done $0x0  }
0x15: {  	s26 =	rddreg [dreg:$0x7];
	[sflag:s9] =	ssyncadd.s32 $0xFFFFFF00  }
0x16: {  	[tilespmem:s26], [sflag:$0x5] =	stream.linear.gather [hbm4b:s17+s2], $0x100, $0x38;
	[tilespmem:$0x10200] =	vst v63  }
0x17: {  	_ =	swait.ge [sflag:s9], $0x100  }
0x18: {  	[sflag:s9] =	ssyncset.done $0x0  }
0x19: {  	s19 =	rddreg [dreg:$0x8];
	[sflag:s9] =	ssyncadd.s32 $0xFFFFFF00  }
0x1a: {  	[tilespmem:s10], [sflag:$0x1] =	stream.linear.gather [hbm4b:s19+s2], $0x8000, $0x38;
	[tilespmem:$0x10200] =	vst v63  }
0x1b: {  	s18 =	rddreg [dreg:$0x6]  }
0x1c: {  	[tilespmem:s11], [sflag:$0x2] =	stream.linear.gather [hbm4b:s18+s2], $0x8000, $0x38;
	[tilespmem:$0x10200] =	vst v63  }
0x1d: {  	_ =	swait.ge [sflag:s12], $0x8000  }
0x1e: {  	[sflag:s12] =	ssyncset.done $0x0  }
0x1f: {  	[sflag:s12] =	ssyncadd.s32 $0xFFFF8000  }
0x20: {  	v3 =	vld [tilespmem:$0x0];
	_ =	sdelay $0x4  }
0x21: {  	v4 =	vshll.u32 v3, $0x3  }
0x22: {  	v3 =	vand.u32 $0x7, v3;
	v4 =	vand.u32 $0xFFFFFFC0, v4  }
0x23: {  	v3 =	vor.u32 v3, v4  }
0x24: {  	v4 =	vperm.xlane v3, v0;
	_ =	sdelay $0x1  }
0x25: {  	v4 =	vadd.s32 v1, v4;
	_ =	sdelay $0x4  }
0x26: {  	[hbm4b:s3+s2] =	stream.indirect_vreg.scatter [tilespmem:s10], [sflag:$0x3], $0x80, v4, vm0, $0xb8;
	[tilespmem:$0x10200] =	vst v63  }
0x27: {  	s25 =	simm.s32 $0xA00;
	v3 =	vperm.xlane v3, v2  }
0x28: {  	[hbm4b:s5+s2] =	stream.indirect_vreg.scatter [tilespmem:s25], [sflag:$0x3], $0x80, v4, vm0, $0xb8;
	[tilespmem:$0x10200] =	vst v63  }
0x29: {  	s26 =	simm.s32 $0x1200;
	v3 =	vadd.s32 v1, v3  }
0x2a: {  	[hbm4b:s6+s2] =	stream.indirect_vreg.scatter [tilespmem:s26], [sflag:$0x3], $0x80, v4, vm0, $0xb8;
	[tilespmem:$0x10200] =	vst v63  }
0x2b: {  	_ = 	snop  }
0x2c: {  	[hbm4b:s7+s2] =	stream.indirect_vreg.scatter [tilespmem:s28], [sflag:$0x3], $0x80, v4, vm0, $0xb8;
	[tilespmem:$0x10200] =	vst v63  }
0x2d: {  	_ = 	snop  }
0x2e: {  	[hbm4b:s3+s2] =	stream.indirect_vreg.scatter [tilespmem:s30], [sflag:$0x3], $0x80, v3, vm0, $0xb8;
	[tilespmem:$0x10200] =	vst v63  }
0x2f: {  	_ = 	snop  }
0x30: {  	[hbm4b:s5+s2] =	stream.indirect_vreg.scatter [tilespmem:s31], [sflag:$0x3], $0x80, v3, vm0, $0xb8;
	[tilespmem:$0x10200] =	vst v63  }
0x31: {  	s1 =	simm.s32 $0x3200  }
0x32: {  	[hbm4b:s6+s2] =	stream.indirect_vreg.scatter [tilespmem:s1], [sflag:$0x3], $0x80, v3, vm0, $0xb8;
	[tilespmem:$0x10200] =	vst v63  }
0x33: {  	s0 =	simm.s32 $0x3A00  }
0x34: {  	[hbm4b:s7+s2] =	stream.indirect_vreg.scatter [tilespmem:s0], [sflag:$0x3], $0x80, v3, vm0, $0xb8;
	[tilespmem:$0x10200] =	vst v63  }
0x35: {  	v3 =	vld [tilespmem:$0x10];
	_ =	sdelay $0x4  }
0x36: {  	v57 =	vshll.u32 v3, $0x3  }
0x37: {  	v3 =	vand.u32 $0x7, v3;
	v4 =	vand.u32 $0xFFFFFFC0, v57  }
0x38: {  	v3 =	vor.u32 v3, v4  }
0x39: {  	v4 =	vperm.xlane v3, v0;
	_ =	sdelay $0x1  }
0x3a: {  	v4 =	vadd.s32 v1, v4;
	_ =	sdelay $0x3  }
0x3b: {  	s4 =	simm.s32 $0x4200  }
0x3c: {  	[hbm4b:s3+s2] =	stream.indirect_vreg.scatter [tilespmem:s4], [sflag:$0x3], $0x80, v4, vm0, $0xb8;
	[tilespmem:$0x10200] =	vst v63  }
0x3d: {  	s13 =	simm.s32 $0x4A00;
	v3 =	vperm.xlane v3, v2  }
0x3e: {  	[hbm4b:s5+s2] =	stream.indirect_vreg.scatter [tilespmem:s13], [sflag:$0x3], $0x80, v4, vm0, $0xb8;
	[tilespmem:$0x10200] =	vst v63  }
0x3f: {  	s14 =	simm.s32 $0x5200;
	v3 =	vadd.s32 v1, v3  }
0x40: {  	[hbm4b:s6+s2] =	stream.indirect_vreg.scatter [tilespmem:s14], [sflag:$0x3], $0x80, v4, vm0, $0xb8;
	[tilespmem:$0x10200] =	vst v63  }
0x41: {  	s15 =	simm.s32 $0x5A00  }
0x42: {  	[hbm4b:s7+s2] =	stream.indirect_vreg.scatter [tilespmem:s15], [sflag:$0x3], $0x80, v4, vm0, $0xb8;
	[tilespmem:$0x10200] =	vst v63  }
0x43: {  	s16 =	simm.s32 $0x6200  }
0x44: {  	[hbm4b:s3+s2] =	stream.indirect_vreg.scatter [tilespmem:s16], [sflag:$0x3], $0x80, v3, vm0, $0xb8;
	[tilespmem:$0x10200] =	vst v63  }
0x45: {  	s17 =	simm.s32 $0x6A00  }
0x46: {  	[hbm4b:s5+s2] =	stream.indirect_vreg.scatter [tilespmem:s17], [sflag:$0x3], $0x80, v3, vm0, $0xb8;
	[tilespmem:$0x10200] =	vst v63  }
0x47: {  	s18 =	simm.s32 $0x7200  }
0x48: {  	[hbm4b:s6+s2] =	stream.indirect_vreg.scatter [tilespmem:s18], [sflag:$0x3], $0x80, v3, vm0, $0xb8;
	[tilespmem:$0x10200] =	vst v63  }
0x49: {  	s19 =	simm.s32 $0x7A00  }
0x4a: {  	[hbm4b:s7+s2] =	stream.indirect_vreg.scatter [tilespmem:s19], [sflag:$0x3], $0x80, v3, vm0, $0xb8;
	[tilespmem:$0x10200] =	vst v63  }
0x4b: {  	v3 =	vld [tilespmem:$0x100];
	_ =	sdelay $0x4  }
0x4c: {  	v58 =	vshll.u32 v3, $0x3  }
0x4d: {  	v3 =	vand.u32 $0x7, v3;
	v4 =	vand.u32 $0xFFFFFFC0, v58  }
0x4e: {  	v3 =	vor.u32 v3, v4  }
0x4f: {  	v4 =	vperm.xlane v3, v0;
	_ =	sdelay $0x1  }
0x50: {  	v4 =	vadd.s32 v1, v4;
	_ =	sdelay $0x4  }
0x51: {  	[hbm4b:s3+s2] =	stream.indirect_vreg.scatter [tilespmem:s10], [sflag:$0x3], $0x80, v4, vm0, $0xb8;
	[tilespmem:$0x10200] =	vst v63  }
0x52: {  	v3 =	vperm.xlane v3, v2  }
0x53: {  	[hbm4b:s5+s2] =	stream.indirect_vreg.scatter [tilespmem:s25], [sflag:$0x3], $0x80, v4, vm0, $0xb8;
	[tilespmem:$0x10200] =	vst v63  }
0x54: {  	v3 =	vadd.s32 v1, v3  }
0x55: {  	[hbm4b:s6+s2] =	stream.indirect_vreg.scatter [tilespmem:s26], [sflag:$0x3], $0x80, v4, vm0, $0xb8;
	[tilespmem:$0x10200] =	vst v63  }
0x56: {  	_ = 	snop  }
0x57: {  	[hbm4b:s7+s2] =	stream.indirect_vreg.scatter [tilespmem:s28], [sflag:$0x3], $0x80, v4, vm0, $0xb8;
	[tilespmem:$0x10200] =	vst v63  }
0x58: {  	_ = 	snop  }
0x59: {  	[hbm4b:s3+s2] =	stream.indirect_vreg.scatter [tilespmem:s30], [sflag:$0x3], $0x80, v3, vm0, $0xb8;
	[tilespmem:$0x10200] =	vst v63  }
0x5a: {  	_ = 	snop  }
0x5b: {  	[hbm4b:s5+s2] =	stream.indirect_vreg.scatter [tilespmem:s31], [sflag:$0x3], $0x80, v3, vm0, $0xb8;
	[tilespmem:$0x10200] =	vst v63  }
0x5c: {  	_ = 	snop  }
0x5d: {  	[hbm4b:s6+s2] =	stream.indirect_vreg.scatter [tilespmem:s1], [sflag:$0x3], $0x80, v3, vm0, $0xb8;
	[tilespmem:$0x10200] =	vst v63  }
0x5e: {  	_ = 	snop  }
0x5f: {  	[hbm4b:s7+s2] =	stream.indirect_vreg.scatter [tilespmem:s0], [sflag:$0x3], $0x80, v3, vm0, $0xb8;
	[tilespmem:$0x10200] =	vst v63  }
0x60: {  	v3 =	vld [tilespmem:$0x110];
	_ =	sdelay $0x4  }
0x61: {  	v59 =	vshll.u32 v3, $0x3  }
0x62: {  	v3 =	vand.u32 $0x7, v3;
	v4 =	vand.u32 $0xFFFFFFC0, v59  }
0x63: {  	v3 =	vor.u32 v3, v4  }
0x64: {  	v4 =	vperm.xlane v3, v0;
	_ =	sdelay $0x1  }
0x65: {  	v4 =	vadd.s32 v1, v4;
	_ =	sdelay $0x4  }
0x66: {  	[hbm4b:s3+s2] =	stream.indirect_vreg.scatter [tilespmem:s4], [sflag:$0x3], $0x80, v4, vm0, $0xb8;
	[tilespmem:$0x10200] =	vst v63  }
0x67: {  	v3 =	vperm.xlane v3, v2  }
0x68: {  	[hbm4b:s5+s2] =	stream.indirect_vreg.scatter [tilespmem:s13], [sflag:$0x3], $0x80, v4, vm0, $0xb8;
	[tilespmem:$0x10200] =	vst v63  }
0x69: {  	v3 =	vadd.s32 v1, v3  }
0x6a: {  	[hbm4b:s6+s2] =	stream.indirect_vreg.scatter [tilespmem:s14], [sflag:$0x3], $0x80, v4, vm0, $0xb8;
	[tilespmem:$0x10200] =	vst v63  }
0x6b: {  	_ = 	snop  }
0x6c: {  	[hbm4b:s7+s2] =	stream.indirect_vreg.scatter [tilespmem:s15], [sflag:$0x3], $0x80, v4, vm0, $0xb8;
	[tilespmem:$0x10200] =	vst v63  }
0x6d: {  	_ = 	snop  }
0x6e: {  	[hbm4b:s3+s2] =	stream.indirect_vreg.scatter [tilespmem:s16], [sflag:$0x3], $0x80, v3, vm0, $0xb8;
	[tilespmem:$0x10200] =	vst v63  }
0x6f: {  	_ = 	snop  }
0x70: {  	[hbm4b:s5+s2] =	stream.indirect_vreg.scatter [tilespmem:s17], [sflag:$0x3], $0x80, v3, vm0, $0xb8;
	[tilespmem:$0x10200] =	vst v63  }
0x71: {  	_ = 	snop  }
0x72: {  	[hbm4b:s6+s2] =	stream.indirect_vreg.scatter [tilespmem:s18], [sflag:$0x3], $0x80, v3, vm0, $0xb8;
	[tilespmem:$0x10200] =	vst v63  }
0x73: {  	_ = 	snop  }
0x74: {  	[hbm4b:s7+s2] =	stream.indirect_vreg.scatter [tilespmem:s19], [sflag:$0x3], $0x80, v3, vm0, $0xb8;
	[tilespmem:$0x10200] =	vst v63  }
0x75: {  	_ =	swait.ge [sflag:s29], $0x8000  }
0x76: {  	[sflag:s29] =	ssyncset.done $0x0  }
0x77: {  	[sflag:s29] =	ssyncadd.s32 $0xFFFF8000  }
0x78: {  	v3 =	vld [tilespmem:$0x80];
	_ =	sdelay $0x4  }
0x79: {  	v60 =	vshll.u32 v3, $0x3  }
0x7a: {  	v3 =	vand.u32 $0x7, v3;
	v4 =	vand.u32 $0xFFFFFFC0, v60  }
0x7b: {  	v3 =	vor.u32 v3, v4  }
0x7c: {  	v4 =	vperm.xlane v3, v0;
	_ =	sdelay $0x1  }
0x7d: {  	v4 =	vadd.s32 v1, v4;
	_ =	sdelay $0x4  }
0x7e: {  	[hbm4b:s3+s2] =	stream.indirect_vreg.scatter [tilespmem:s11], [sflag:$0x4], $0x80, v4, vm0, $0xb8;
	[tilespmem:$0x10200] =	vst v63  }
0x7f: {  	s0 =	simm.s32 $0x8A00;
	v3 =	vperm.xlane v3, v2  }
0x80: {  	[hbm4b:s5+s2] =	stream.indirect_vreg.scatter [tilespmem:s0], [sflag:$0x4], $0x80, v4, vm0, $0xb8;
	[tilespmem:$0x10200] =	vst v63  }
0x81: {  	s1 =	simm.s32 $0x9200;
	v3 =	vadd.s32 v1, v3  }
0x82: {  	[hbm4b:s6+s2] =	stream.indirect_vreg.scatter [tilespmem:s1], [sflag:$0x4], $0x80, v4, vm0, $0xb8;
	[tilespmem:$0x10200] =	vst v63  }
0x83: {  	s4 =	simm.s32 $0x9A00  }
0x84: {  	[hbm4b:s7+s2] =	stream.indirect_vreg.scatter [tilespmem:s4], [sflag:$0x4], $0x80, v4, vm0, $0xb8;
	[tilespmem:$0x10200] =	vst v63  }
0x85: {  	s13 =	simm.s32 $0xA200  }
0x86: {  	[hbm4b:s3+s2] =	stream.indirect_vreg.scatter [tilespmem:s13], [sflag:$0x4], $0x80, v3, vm0, $0xb8;
	[tilespmem:$0x10200] =	vst v63  }
0x87: {  	s14 =	simm.s32 $0xAA00  }
0x88: {  	[hbm4b:s5+s2] =	stream.indirect_vreg.scatter [tilespmem:s14], [sflag:$0x4], $0x80, v3, vm0, $0xb8;
	[tilespmem:$0x10200] =	vst v63  }
0x89: {  	s15 =	simm.s32 $0xB200  }
0x8a: {  	[hbm4b:s6+s2] =	stream.indirect_vreg.scatter [tilespmem:s15], [sflag:$0x4], $0x80, v3, vm0, $0xb8;
	[tilespmem:$0x10200] =	vst v63  }
0x8b: {  	s16 =	simm.s32 $0xBA00  }
0x8c: {  	[hbm4b:s7+s2] =	stream.indirect_vreg.scatter [tilespmem:s16], [sflag:$0x4], $0x80, v3, vm0, $0xb8;
	[tilespmem:$0x10200] =	vst v63  }
0x8d: {  	v3 =	vld [tilespmem:$0x90];
	_ =	sdelay $0x4  }
0x8e: {  	v61 =	vshll.u32 v3, $0x3  }
0x8f: {  	v3 =	vand.u32 $0x7, v3;
	v4 =	vand.u32 $0xFFFFFFC0, v61  }
0x90: {  	v3 =	vor.u32 v3, v4  }
0x91: {  	v4 =	vperm.xlane v3, v0;
	_ =	sdelay $0x1  }
0x92: {  	v4 =	vadd.s32 v1, v4;
	_ =	sdelay $0x3  }
0x93: {  	s17 =	simm.s32 $0xC200  }
0x94: {  	[hbm4b:s3+s2] =	stream.indirect_vreg.scatter [tilespmem:s17], [sflag:$0x4], $0x80, v4, vm0, $0xb8;
	[tilespmem:$0x10200] =	vst v63  }
0x95: {  	s18 =	simm.s32 $0xCA00;
	v3 =	vperm.xlane v3, v2  }
0x96: {  	[hbm4b:s5+s2] =	stream.indirect_vreg.scatter [tilespmem:s18], [sflag:$0x4], $0x80, v4, vm0, $0xb8;
	[tilespmem:$0x10200] =	vst v63  }
0x97: {  	s19 =	simm.s32 $0xD200;
	v3 =	vadd.s32 v1, v3  }
0x98: {  	[hbm4b:s6+s2] =	stream.indirect_vreg.scatter [tilespmem:s19], [sflag:$0x4], $0x80, v4, vm0, $0xb8;
	[tilespmem:$0x10200] =	vst v63  }
0x99: {  	s25 =	simm.s32 $0xDA00  }
0x9a: {  	[hbm4b:s7+s2] =	stream.indirect_vreg.scatter [tilespmem:s25], [sflag:$0x4], $0x80, v4, vm0, $0xb8;
	[tilespmem:$0x10200] =	vst v63  }
0x9b: {  	s26 =	simm.s32 $0xE200  }
0x9c: {  	[hbm4b:s3+s2] =	stream.indirect_vreg.scatter [tilespmem:s26], [sflag:$0x4], $0x80, v3, vm0, $0xb8;
	[tilespmem:$0x10200] =	vst v63  }
0x9d: {  	_ = 	snop  }
0x9e: {  	[hbm4b:s5+s2] =	stream.indirect_vreg.scatter [tilespmem:s20], [sflag:$0x4], $0x80, v3, vm0, $0xb8;
	[tilespmem:$0x10200] =	vst v63  }
0x9f: {  	_ = 	snop  }
0xa0: {  	[hbm4b:s6+s2] =	stream.indirect_vreg.scatter [tilespmem:s21], [sflag:$0x4], $0x80, v3, vm0, $0xb8;
	[tilespmem:$0x10200] =	vst v63  }
0xa1: {  	_ = 	snop  }
0xa2: {  	[hbm4b:s7+s2] =	stream.indirect_vreg.scatter [tilespmem:s22], [sflag:$0x4], $0x80, v3, vm0, $0xb8;
	[tilespmem:$0x10200] =	vst v63  }
0xa3: {  	v3 =	vld [tilespmem:$0x180];
	_ =	sdelay $0x4  }
0xa4: {  	v62 =	vshll.u32 v3, $0x3  }
0xa5: {  	v3 =	vand.u32 $0x7, v3;
	v4 =	vand.u32 $0xFFFFFFC0, v62  }
0xa6: {  	v3 =	vor.u32 v3, v4  }
0xa7: {  	v4 =	vperm.xlane v3, v0;
	_ =	sdelay $0x1  }
0xa8: {  	v4 =	vadd.s32 v1, v4;
	_ =	sdelay $0x4  }
0xa9: {  	[hbm4b:s3+s2] =	stream.indirect_vreg.scatter [tilespmem:s11], [sflag:$0x4], $0x80, v4, vm0, $0xb8;
	[tilespmem:$0x10200] =	vst v63  }
0xaa: {  	v3 =	vperm.xlane v3, v2  }
0xab: {  	[hbm4b:s5+s2] =	stream.indirect_vreg.scatter [tilespmem:s0], [sflag:$0x4], $0x80, v4, vm0, $0xb8;
	[tilespmem:$0x10200] =	vst v63  }
0xac: {  	v3 =	vadd.s32 v1, v3  }
0xad: {  	[hbm4b:s6+s2] =	stream.indirect_vreg.scatter [tilespmem:s1], [sflag:$0x4], $0x80, v4, vm0, $0xb8;
	[tilespmem:$0x10200] =	vst v63  }
0xae: {  	_ = 	snop  }
0xaf: {  	[hbm4b:s7+s2] =	stream.indirect_vreg.scatter [tilespmem:s4], [sflag:$0x4], $0x80, v4, vm0, $0xb8;
	[tilespmem:$0x10200] =	vst v63  }
0xb0: {  	_ = 	snop  }
0xb1: {  	[hbm4b:s3+s2] =	stream.indirect_vreg.scatter [tilespmem:s13], [sflag:$0x4], $0x80, v3, vm0, $0xb8;
	[tilespmem:$0x10200] =	vst v63  }
0xb2: {  	_ = 	snop  }
0xb3: {  	[hbm4b:s5+s2] =	stream.indirect_vreg.scatter [tilespmem:s14], [sflag:$0x4], $0x80, v3, vm0, $0xb8;
	[tilespmem:$0x10200] =	vst v63  }
0xb4: {  	_ = 	snop  }
0xb5: {  	[hbm4b:s6+s2] =	stream.indirect_vreg.scatter [tilespmem:s15], [sflag:$0x4], $0x80, v3, vm0, $0xb8;
	[tilespmem:$0x10200] =	vst v63  }
0xb6: {  	_ = 	snop  }
0xb7: {  	[hbm4b:s7+s2] =	stream.indirect_vreg.scatter [tilespmem:s16], [sflag:$0x4], $0x80, v3, vm0, $0xb8;
	[tilespmem:$0x10200] =	vst v63  }
0xb8: {  	v3 =	vld [tilespmem:$0x190];
	_ =	sdelay $0x4  }
0xb9: {  	v63 =	vshll.u32 v3, $0x3  }
0xba: {  	v3 =	vand.u32 $0x7, v3;
	v4 =	vand.u32 $0xFFFFFFC0, v63  }
0xbb: {  	v3 =	vor.u32 v3, v4  }
0xbc: {  	v4 =	vperm.xlane v3, v0;
	_ =	sdelay $0x1  }
0xbd: {  	v4 =	vadd.s32 v1, v4;
	_ =	sdelay $0x4  }
0xbe: {  	[hbm4b:s3+s2] =	stream.indirect_vreg.scatter [tilespmem:s17], [sflag:$0x4], $0x80, v4, vm0, $0xb8;
	[tilespmem:$0x10200] =	vst v63  }
0xbf: {  	v3 =	vperm.xlane v3, v2  }
0xc0: {  	[hbm4b:s5+s2] =	stream.indirect_vreg.scatter [tilespmem:s18], [sflag:$0x4], $0x80, v4, vm0, $0xb8;
	[tilespmem:$0x10200] =	vst v63  }
0xc1: {  	v3 =	vadd.s32 v1, v3  }
0xc2: {  	[hbm4b:s6+s2] =	stream.indirect_vreg.scatter [tilespmem:s19], [sflag:$0x4], $0x80, v4, vm0, $0xb8;
	[tilespmem:$0x10200] =	vst v63  }
0xc3: {  	_ = 	snop  }
0xc4: {  	[hbm4b:s7+s2] =	stream.indirect_vreg.scatter [tilespmem:s25], [sflag:$0x4], $0x80, v4, vm0, $0xb8;
	[tilespmem:$0x10200] =	vst v63  }
0xc5: {  	_ = 	snop  }
0xc6: {  	[hbm4b:s3+s2] =	stream.indirect_vreg.scatter [tilespmem:s26], [sflag:$0x4], $0x80, v3, vm0, $0xb8;
	[tilespmem:$0x10200] =	vst v63  }
0xc7: {  	_ = 	snop  }
0xc8: {  	[hbm4b:s5+s2] =	stream.indirect_vreg.scatter [tilespmem:s20], [sflag:$0x4], $0x80, v3, vm0, $0xb8;
	[tilespmem:$0x10200] =	vst v63  }
0xc9: {  	_ = 	snop  }
0xca: {  	[hbm4b:s6+s2] =	stream.indirect_vreg.scatter [tilespmem:s21], [sflag:$0x4], $0x80, v3, vm0, $0xb8;
	[tilespmem:$0x10200] =	vst v63  }
0xcb: {  	_ = 	snop  }
0xcc: {  	[hbm4b:s7+s2] =	stream.indirect_vreg.scatter [tilespmem:s22], [sflag:$0x4], $0x80, v3, vm0, $0xb8;
	[tilespmem:$0x10200] =	vst v63  }
0xcd: {  	_ =	swait.ge [sflag:s23], $0x8000  }
0xce: {  	[sflag:s23] =	ssyncset.done $0x0  }
0xcf: {  	[sflag:s23] =	ssyncadd.s32 $0xFFFF8000  }
0xd0: {  	_ =	swait.ge [sflag:s23], $0x8000  }
0xd1: {  	[sflag:s23] =	ssyncset.done $0x0  }
0xd2: {  	[sflag:s23] =	ssyncadd.s32 $0xFFFF8000  }
0xd3: {  	p0 =	sne.s32 s8, $0x1;
	_ =	swait.ge [sflag:s24], $0x8000  }
.Ltmp0:
0xd4: {  	[sflag:s24] =	ssyncset.done $0x0;
	(pc) =	sbr.rel @p0 .LBB2_1-.Ltmp0, $4  }
0xd5: {  	[sflag:s24] =	ssyncadd.s32 $0xFFFF8000  }
0xd6: {  	_ =	swait.ge [sflag:s24], $0x8000  }
0xd7: {  	[sflag:s24] =	ssyncset.done $0x0  }
0xd8: {  	s8 =	sadd.s32 $0xFFFFFFFF, s8;
	[sflag:s24] =	ssyncadd.s32 $0xFFFF8000  }
0xd9: {  	_ =	sfence.sel $0x180000  }
0xda: {  	[bflag:$0x0] =	sbarrier.arrive $0xFFFF  }
0xdb: {  	_ =	strace $0x90000047  }
0xdc: {  	s0 =	stileid.u32;
	[bflag:$0x2] =	sbarrier.arrive $0xFFFF  }
0xdd: {  	p0 =	sne.s32 s0, $0x0;
	s0 =	rddreg [dreg:$0x3]  }
0xde: {  	s0 =	sadd.s32 @!p0 $0x100000, s0  }
0xdf: {  	[sflag:s0] =	ssyncadd.tile.s32 @!p0 $0x1;
	_ =	shalt  }
.Lfunc_end2:
_tile_overlayer_lowered:
.L_overlay_start_2:
0xe0: {  	(tag) =	ssettag $0x2  }
0xe1: {  	s0 =	rddreg [dreg:$0x0];
	s2 =	stileid.u32  }
0xe2: {  	s1 =	rddreg [dreg:$0x1];
	p0 =	sne.s32 s2, $0x0  }
0xe3: {  	s3 =	rddreg [dreg:$0x2];
	[bflag:$0x3] =	sbarrier.arrive $0xFFFF;
	s2 =	simm.s32 @!p0 $0x1C05  }
0xe4: {  	[timem:s3], [sflag:s2] =	dma.local @!p0 [hbm:s0], s1  }
0xe5: {  	s0 =	simm.s32 @!p0 $0x5  }
0xe6: {  	_ =	swait.ge @!p0 [sflag:s0], s1  }
0xe7: {  	s1 =	ssub.s32 @!p0 $0x0, s1;
	[sflag:s0] =	ssyncset.done @!p0 $0x0  }
0xe8: {  	[sflag:s0] =	ssyncadd.s32 @!p0 s1  }
0xe9: {  	[bflag:$0x3] =	sbarrier.arrive $0xFFFF  }
0xea: {  	_ =	shalt  }

// kernel: kernel.9.cloned.1.call-start
scs
__scs_entry_jumppad:
0x0: {  	(pc) =	sbr.rel $0x88, $3  }
0x1: {  	(tag) =	ssettag $0x0;
	lr =	simm.s32 $0x1  }
0x2: {  	[smem:$0x3F9D] =	sst lr;
	_ =	strace $0xD0000000  }
0x3: {  	_ = 	snop  }
0x4: {  	_ = 	snop  }
0x5: {  	_ = 	snop  }
0x6: {  	_ = 	snop  }
0x7: {  	_ = 	snop  }
__scs_overlays_trampoline_lowered:
0x8: {  	[smem:$0x3FAC] =	sst s0  }
0x9: {  	[smem:$0x3FAD] =	sst s1  }
0xa: {  	[smem:$0x3FAE] =	sst s2  }
0xb: {  	[smem:$0x3FAF] =	sst s3  }
0xc: {  	[smem:$0x3FB0] =	sst s4  }
0xd: {  	[smem:$0x3FB1] =	sst s5  }
0xe: {  	[smem:$0x3FB2] =	sst s6  }
0xf: {  	[smem:$0x3FB3] =	sst s7  }
0x10: {  	[smem:$0x3FB4] =	sst s8  }
0x11: {  	[smem:$0x3FB5] =	sst s9;
	s0 =	simm.s32 @!p0 $0x0  }
0x12: {  	s1 =	sld [smem:$0x3F9B];
	s0 =	simm.s32 @p0 $0x1  }
0x13: {  	[smem:$0x3FB6] =	sst s0;
	s0 =	simm.s32 @!p1 $0x0  }
0x14: {  	s2 =	sld [smem:$0x3F9A];
	s0 =	simm.s32 @p1 $0x1  }
0x15: {  	[smem:$0x3FB7] =	sst s0;
	s0 =	simm.s32 @!p2 $0x0  }
0x16: {  	s3 =	sld [smem:$0x3FDB];
	s0 =	simm.s32 @p2 $0x1  }
0x17: {  	s4 =	simm.s32 $0x1BF5;
	[smem:$0x3FB9] =	sst s0  }
0x18: {  	s0 =	sld [smem:$0x3F9C];
	_ =	swait.ge [sflag:s4], $0x0  }
0x19: {  	s7 =	sld [smem:$0x3F9D]  }
0x1a: {  	s8 =	sadd.s32 $0xFFFFE003, lr  }
0x1b: {  	s9 =	sadd.s32 $0xFFFFFEF7, lr;
	s5 =	simm.s32 $0xFFFFFFFF;
	p2 =	slt.u32 s8, $0xFFFFF086  }
0x1c: {  	p1 =	slt.u32 s9, $0xF7A;
	s5 =	simm.s32 @!p2 $0x0  }
0x1d: {  	s5 =	simm.s32 @p1 $0x1;
	p0 =	seq.s32 s7, s2  }
0x1e: {  	s7 =	smul.u32 @!p0 $0xF7A, s2;
	p2 =	seq.s32 @!p0 s5, $0x0  }
0x1f: {  	s9 =	smul.u32 $0xF7A, s1;
	s8 =	simm.s32 @!p0 $0x1BF5;
	p2 =	por !p2, p0  }
0x20: {  	[sflag:s8] =	ssyncset.s32 @!p0 $0xFFFFF086;
	s6 =	sadd.s32 @!p0 s3, s7;
	s7 =	simm.s32 @!p0 $0x108  }
0x21: {  	s3 =	sadd.s32 s3, s9;
	s6 =	sadd.s32 @!p0 $0x88, s6;
	s7 =	simm.s32 @p2 $0x1082  }
0x22: {  	[simem:s7], [sflag:s8] =	dma.local @!p0 [hbm:s6], $0xF7A  }
0x23: {  	s9 =	sor.u32 $0xD0000000, s2;
	s6 =	simm.s32 $0x108;
	_ =	swait.ge @!p0 [sflag:s8], $0x0  }
0x24: {  	s3 =	sadd.s32 $0x88, s3;
	s6 =	simm.s32 @!p1 $0x1082;
	[sflag:s4] =	ssyncset.s32 $0xFFFFF086  }
0x25: {  	[simem:s6], [sflag:s4] =	dma.local [hbm:s3], $0xF7A  }
0x26: {  	[smem:$0x3F9D] =	sst s1;
	(tag) =	ssettag s2;
	_ =	strace s9  }
0x27: {  	s1 =	sld [smem:$0x3FAD]  }
0x28: {  	s2 =	sld [smem:$0x3FAE]  }
0x29: {  	s4 =	sld [smem:$0x3FB0]  }
0x2a: {  	p0 =	seq.s32 s5, $0x0;
	s5 =	sld [smem:$0x3FB1]  }
0x2b: {  	s6 =	sld [smem:$0x3FB2]  }
0x2c: {  	s7 =	sld [smem:$0x3FB3]  }
0x2d: {  	s3 =	simm.s32 $0x108;
	s8 =	sld [smem:$0x3FB4]  }
0x2e: {  	s3 =	simm.s32 @!p0 $0x1082;
	s9 =	sld [smem:$0x3FB5]  }
0x2f: {  	lr =	sadd.s32 s0, s3;
	s0 =	sld [smem:$0x3FAC]  }
0x30: {  	s3 =	sld [smem:$0x3FAF]  }
0x31: {  	[smem:$0x3FB8] =	sst s10  }
0x32: {  	s10 =	sld [smem:$0x3FB6];
	_ =	sdelay $0x3  }
0x33: {  	p0 =	seq.s32 s10, $0x1;
	s10 =	sld [smem:$0x3FB8];
	_ =	sdelay $0x3  }
0x34: {  	[smem:$0x3FB8] =	sst s10  }
0x35: {  	s10 =	sld [smem:$0x3FB7];
	_ =	sdelay $0x3  }
0x36: {  	p1 =	seq.s32 s10, $0x1;
	s10 =	sld [smem:$0x3FB8];
	_ =	sdelay $0x3  }
0x37: {  	[smem:$0x3FB8] =	sst s10  }
0x38: {  	s10 =	sld [smem:$0x3FB9]  }
0x39: {  	_ = 	snop;
	(pc) =	sbr.ind lr, $3  }
0x3a: {  	_ = 	snop  }
0x3b: {  	_ = 	snop  }
0x3c: {  	p2 =	seq.s32 s10, $0x1;
	s10 =	sld [smem:$0x3FB8]  }
0x3d: {  	_ =	shalt  }
0x3e: {  	_ =	shalt  }
0x3f: {  	_ =	shalt  }
0x40: {  	_ =	shalt  }
0x41: {  	_ =	shalt  }
0x42: {  	_ =	shalt  }
0x43: {  	_ =	shalt  }
0x44: {  	_ =	shalt  }
0x45: {  	_ =	shalt  }
0x46: {  	_ =	shalt  }
0x47: {  	_ =	shalt  }
0x48: {  	_ =	shalt  }
0x49: {  	_ =	shalt  }
0x4a: {  	_ =	shalt  }
0x4b: {  	_ =	shalt  }
0x4c: {  	_ =	shalt  }
0x4d: {  	_ =	shalt  }
0x4e: {  	_ =	shalt  }
0x4f: {  	_ =	shalt  }
0x50: {  	_ =	shalt  }
0x51: {  	_ =	shalt  }
0x52: {  	_ =	shalt  }
0x53: {  	_ =	shalt  }
0x54: {  	_ =	shalt  }
0x55: {  	_ =	shalt  }
0x56: {  	_ =	shalt  }
0x57: {  	_ =	shalt  }
0x58: {  	_ =	shalt  }
0x59: {  	_ =	shalt  }
0x5a: {  	_ =	shalt  }
0x5b: {  	_ =	shalt  }
0x5c: {  	_ =	shalt  }
0x5d: {  	_ =	shalt  }
0x5e: {  	_ =	shalt  }
0x5f: {  	_ =	shalt  }
0x60: {  	_ =	shalt  }
0x61: {  	_ =	shalt  }
0x62: {  	_ =	shalt  }
0x63: {  	_ =	shalt  }
0x64: {  	_ =	shalt  }
0x65: {  	_ =	shalt  }
0x66: {  	_ =	shalt  }
0x67: {  	_ =	shalt  }
0x68: {  	_ =	shalt  }
0x69: {  	_ =	shalt  }
0x6a: {  	_ =	shalt  }
0x6b: {  	_ =	shalt  }
0x6c: {  	_ =	shalt  }
0x6d: {  	_ =	shalt  }
0x6e: {  	_ =	shalt  }
0x6f: {  	_ =	shalt  }
0x70: {  	_ =	shalt  }
0x71: {  	_ =	shalt  }
0x72: {  	_ =	shalt  }
0x73: {  	_ =	shalt  }
0x74: {  	_ =	shalt  }
0x75: {  	_ =	shalt  }
0x76: {  	_ =	shalt  }
0x77: {  	_ =	shalt  }
0x78: {  	_ =	shalt  }
0x79: {  	_ =	shalt  }
0x7a: {  	_ =	shalt  }
0x7b: {  	_ =	shalt  }
0x7c: {  	_ =	shalt  }
0x7d: {  	_ =	shalt  }
0x7e: {  	_ =	shalt  }
0x7f: {  	_ =	shalt  }
0x80: {  	_ =	shalt  }
0x81: {  	_ =	shalt  }
0x82: {  	_ =	shalt  }
0x83: {  	_ =	shalt  }
0x84: {  	_ =	shalt  }
0x85: {  	_ =	shalt  }
0x86: {  	_ =	shalt  }
0x87: {  	_ =	shalt  }
.Lfunc_end0:
.L_simem_size_0:
called_computation.1_lowered:
.L_overlay_start_0:
0x88: {  	s2 =	sld [smem:$0x3FD9]  }
0x89: {  	s3 =	sld [smem:$0x3FFE];
	_ =	sdelay $0x1  }
0x8a: {  	s1 =	srdreg.scid  }
0x8b: {  	s0 =	sand.u32 $0x1, s1  }
0x8c: {  	s17 =	sshll.u32 s0, $0xA;
	s2 =	sadd.s32 s3, s2  }
0x8d: {  	s2 =	sadd.s32 s2, s17  }
0x8e: {  	[smem:$0x3FC4] =	sst s2  }
0x8f: {  	_ = 	snop  }
0x90: {  	s2 =	sld [smem:$0x3FD0];
	(tm) =	ssettm $0x1  }
0x91: {  	s18 =	sld [smem:$0x3FFB];
	_ =	sdelay $0x3  }
0x92: {  	_ =	strace s18  }
0x93: {  	s3 =	sld [smem:$0x3FFC];
	_ =	sdelay $0x3  }
0x94: {  	_ =	strace s3  }
0x95: {  	s3 =	sld [smem:$0x3FFD];
	_ =	sdelay $0x3  }
0x96: {  	_ =	strace s3  }
0x97: {  	_ =	strace $0x8FFFFFFF  }
0x98: {  	s19 =	sld [smem:$0x3FDB];
	_ =	sdelay $0x1  }
0x99: {  	s4 =	simm.s32 $_scs_section_size  }
0x9a: {  	s5 =	simm.s32 $_size__tile_overlayer_lowered;
	s6 =	simm.s32 $_tile_overlayer_lowered  }
0x9b: {  	s22 =	simm.s32 $0x1BFF;
	s21 =	sshll.u32 s6, $0x1;
	s3 =	sadd.s32 s4, s19  }
0x9c: {  	s7 =	simm.s32 $0x0;
	s20 =	sshll.u32 s5, $0x1;
	s5 =	sadd.s32 s21, s3  }
0x9d: {  	[timem:s7], [sflag:s22] =	dma.local [hbm:s5], s20  }
0x9e: {  	_ =	swait.ge [sflag:s22], s20  }
0x9f: {  	s4 =	ssub.s32 $0x0, s20;
	[sflag:s22] =	ssyncset.done $0x0  }
0xa0: {  	[sflag:s22] =	ssyncadd.s32 s4;
	_ =	sdelay $0x1  }
0xa1: {  	s23 =	simm.s32 $0x1B8B  }
0xa2: {  	_ =	swait.ge [sflag:s23], $0x1  }
0xa3: {  	[sflag:s23] =	ssyncset.done $0x0  }
0xa4: {  	s25 =	simm.s32 $0x1B8E;
	s24 =	sld [smem:$0x3FFE];
	[sflag:s23] =	ssyncadd.s32 $0xFFFFFFFF  }
0xa5: {  	s26 =	simm.s32 $execute0_lowered;
	[smem:$0x3FD2] =	sst s25  }
0xa6: {  	s5 =	sshll.u32 s26, $0x1;
	_ =	strace $0x80000049;
	[dreg:$0x1] =	wrdreg $0xFFFFFFFF  }
0xa7: {  	s28 =	simm.s32 $_size_execute0_lowered;
	s3 =	sadd.s32 s3, s5;
	[dreg:$0x0] =	wrdreg $0x0  }
0xa8: {  	s5 =	sshll.u32 s28, $0x1;
	[dreg:$0x2] =	wrdreg s3  }
0xa9: {  	[dreg:$0x3] =	wrdreg s5  }
0xaa: {  	[dreg:$0x4] =	wrdreg $0xC0  }
0xab: {  	_ =	task [dreg:s7], $0x5FFFF  }
0xac: {  	[dreg:$0x1] =	wrdreg $0xFFFFFFFF  }
0xad: {  	[dreg:$0x0] =	wrdreg $0x60  }
0xae: {  	[dreg:$0x2] =	wrdreg s24  }
0xaf: {  	[dreg:$0x3] =	wrdreg s2  }
0xb0: {  	[dreg:$0x4] =	wrdreg $0x9  }
0xb1: {  	_ =	task.clear_ibuf [dreg:s7], $0x5FFFF;
	_ =	strace $0x90000049  }
0xb2: {  	s29 =	simm.s32 $0x9;
	_ =	strace $0x8000004B  }
0xb3: {  	_ =	swait.ge [sflag:s29], $0x1  }
0xb4: {  	[sflag:s29] =	ssyncadd.s32 $0xFFFFFFFF  }
0xb5: {  	_ =	strace $0x9000004B  }
0xb6: {  	_ =	sfence  }
0xb7: {  	s30 =	sld [smem:$0x0];
	_ =	sdelay $0x2  }
0xb8: {  	s31 =	sshll.u32 s1, $0xD;
	s1 =	sshrl.u32 s1, $0x2  }
0xb9: {  	s3 =	sand.u32 $0x4000, s31;
	s1 =	sadd.s32 s1, s30  }
0xba: {  	s0 =	sor.u32 s3, s0;
	s1 =	sshll.u32 s1, $0x11  }
0xbb: {  	s0 =	sor.u32 s1, s0  }
0xbc: {  	s0 =	sadd.s32 $0x8F2B, s0  }
0xbd: {  	[sflag:s0] =	ssyncadd.remote.s32 $0x1  }
0xbe: {  	_ =	sfence.sel $0xFFFF  }
0xbf: {  	[dreg:$0x0] =	wrdreg $0xFFFFFFFF;
	(pc) =	sbr.abs _section_cstart, $3  }
0xc0: {  	[dreg:$0x1] =	wrdreg $0xFFFFFFFF  }
0xc1: {  	_ =	task.clear_ibuf [dreg:s7], $0x2FFFF;
	_ =	strace $0x9FFFFFFF  }
0xc2: {  	(tm) =	ssettm $0x7FFFFFFF  }
0xc3: {  	_ =	shalt  }
tec
execute0_lowered:
.L_overlay_start_1:
0x0: {  	(tag) =	ssettag $0x1  }
0x1: {  	s0 =	rddreg [dreg:$0x0]  }
0x2: {  	s2 =	rddreg [dreg:$0x1]  }
0x3: {  	s1 =	simm.s32 $0x0;
	s4 =	srdreg.scid;
	s6 =	stileid.u32  }
0x4: {  	s16 =	simm.s32 $0x5;
	s12 =	simm.s32 $0x10400;
	s13 =	simm.s32 $0x11400  }
0x5: {  	s14 =	simm.s32 $0x12400;
	s28 =	simm.s32 $0x12C00;
	s15 =	simm.s32 $0x13400  }
0x6: {  	s29 =	simm.s32 $0x13C00;
	s30 =	simm.s32 $0x1;
	s31 =	simm.s32 $0x3  }
0x7: {  	s17 =	simm.s32 $0x0;
	[smem:$0x7FF] =	sst s1;
	s3 =	sadd.s32 $0xC2200, s0  }
0x8: {  	s4 =	sand.u32 $0x1, s4;
	s5 =	sshll.u32 s6, $0x7;
	s6 =	sshll.u32 s6, $0x1  }
0x9: {  	s9 =	sadd.s32 $0xC2400, s0;
	s10 =	sadd.s32 $0xC2500, s0;
	s7 =	sshll.u32 s4, $0x6  }
0xa: {  	_ =	strace $0x8000004A;
	s6 =	sor.u32 s4, s6;
	s5 =	sor.u32 s7, s5  }
0xb: {  	s4 =	ssub.s32 $0x2, s4;
	s18 =	sshll.u32 s6, $0xA;
	s5 =	sadd.s32 s5, s0  }
0xc: {  	s8 =	sshrl.u32 s4, $0x1;
	s22 =	sshll.u32 s6, $0xD;
	s19 =	sadd.s32 $0xC1200, s5  }
0xd: {  	s7 =	sadd.s32 s18, s0;
	s5 =	sadd.s32 $0xC1A00, s5;
	[dreg:$0x3] =	wrdreg s19  }
0xe: {  	s4 =	ssub.s32 s4, s8;
	s20 =	sadd.s32 $0xE00, s7;
	[dreg:$0x4] =	wrdreg s5  }
0xf: {  	s11 =	sadd.s32 s2, s22;
	s21 =	sadd.s32 $0x8E00, s7;
	[dreg:$0x5] =	wrdreg s20  }
0x10: {  	s8 =	sadd.s32 $0xC2300, s0;
	s23 =	sadd.s32 $0x800, s11;
	[dreg:$0x6] =	wrdreg s21  }
0x11: {  	s0 =	simm.s32 $0x2;
	s24 =	sadd.s32 $0x1000, s11;
	[dreg:$0x7] =	wrdreg s23  }
0x12: {  	s2 =	simm.s32 $0x4;
	s25 =	sadd.s32 $0x1800, s11;
	[dreg:$0x8] =	wrdreg s24  }
0x13: {  	v2 =	vlaneseq.u32;
	s26 =	smax.u32 s4, $0x1;
	s4 =	simm.s32 $0xC400;
	[dreg:$0x9] =	wrdreg s25  }
0x14: {  	vm0 =	vmmov $0xffff;
	v1 =	vshrl.u32 v2, $0x3;
	[dreg:$0xa] =	wrdreg s26;
	s20 =	simm.s32 $0x4400;
	s23 =	simm.s32 $0xF400  }
0x15: {  	v0 =	vand.u32 $0x7, v2;
	v2 =	vor.u32 $0x8, v2;
	v1 =	vmul.u32 $0x8, v1;
	s24 =	simm.s32 $0xFC00;
	s25 =	simm.s32 $0x10C00;
	s26 =	simm.s32 $0x11C00  }
.LBB2_1:
0x16: {  	s5 =	rddreg [dreg:$0x3]  }
0x17: {  	[tilespmem:s1], [sflag:$0x5] =	stream.linear.gather [hbm4b:s5+s1], $0x200, $0x38;
	[tilespmem:$0x14400] =	vst v63  }
0x18: {  	_ =	swait.ge [sflag:s16], $0x200  }
0x19: {  	[sflag:s16] =	ssyncset.done $0x0  }
0x1a: {  	s6 =	simm.s32 $0x200;
	s7 =	rddreg [dreg:$0x4];
	[sflag:s16] =	ssyncadd.s32 $0xFFFFFE00  }
0x1b: {  	[tilespmem:s6], [sflag:$0x5] =	stream.linear.gather [hbm4b:s7+s1], $0x200, $0x38;
	[tilespmem:$0x14400] =	vst v63  }
0x1c: {  	_ =	swait.ge [sflag:s16], $0x200  }
0x1d: {  	[sflag:s16] =	ssyncset.done $0x0  }
0x1e: {  	s19 =	simm.s32 $0x400;
	s18 =	rddreg [dreg:$0x5];
	[sflag:s16] =	ssyncadd.s32 $0xFFFFFE00  }
0x1f: {  	[tilespmem:s19], [sflag:$0x5] =	stream.linear.gather [hbm4b:s18+s1], $0x2000, $0x38;
	[tilespmem:$0x14400] =	vst v63  }
0x20: {  	_ =	swait.ge [sflag:s16], $0x2000  }
0x21: {  	[sflag:s16] =	ssyncset.done $0x0  }
0x22: {  	s22 =	simm.s32 $0x2400;
	s21 =	rddreg [dreg:$0x6];
	[sflag:s16] =	ssyncadd.s32 $0xFFFFE000  }
0x23: {  	[tilespmem:s22], [sflag:$0x5] =	stream.linear.gather [hbm4b:s21+s1], $0x2000, $0x38;
	[tilespmem:$0x14400] =	vst v63  }
0x24: {  	_ =	swait.ge [sflag:s16], $0x2000  }
0x25: {  	[sflag:s16] =	ssyncset.done $0x0  }
0x26: {  	[sflag:s16] =	ssyncadd.s32 $0xFFFFE000  }
0x27: {  	v3 =	vld [tilespmem:$0x0];
	_ =	sdelay $0x4  }
0x28: {  	v4 =	vshll.u32 v3, $0x3  }
0x29: {  	v3 =	vand.u32 $0x7, v3;
	v4 =	vand.u32 $0xFFFFFFC0, v4  }
0x2a: {  	v3 =	vor.u32 v3, v4  }
0x2b: {  	v4 =	vperm.xlane v3, v0;
	_ =	sdelay $0x1  }
0x2c: {  	v4 =	vadd.s32 v1, v4;
	_ =	sdelay $0x4  }
0x2d: {  	[tilespmem:s20], [sflag:$0x1] =	stream.indirect_vreg.gather [hbm4b:s3+s1], $0x80, v4, vm0, $0xb8;
	[tilespmem:$0x14400] =	vst v63  }
0x2e: {  	s6 =	simm.s32 $0x4C00;
	v3 =	vperm.xlane v3, v2  }
0x2f: {  	[tilespmem:s6], [sflag:$0x1] =	stream.indirect_vreg.gather [hbm4b:s8+s1], $0x80, v4, vm0, $0xb8;
	[tilespmem:$0x14400] =	vst v63  }
0x30: {  	s7 =	simm.s32 $0x5400;
	v3 =	vadd.s32 v1, v3  }
0x31: {  	[tilespmem:s7], [sflag:$0x1] =	stream.indirect_vreg.gather [hbm4b:s9+s1], $0x80, v4, vm0, $0xb8;
	[tilespmem:$0x14400] =	vst v63  }
0x32: {  	s18 =	simm.s32 $0x5C00  }
0x33: {  	[tilespmem:s18], [sflag:$0x1] =	stream.indirect_vreg.gather [hbm4b:s10+s1], $0x80, v4, vm0, $0xb8;
	[tilespmem:$0x14400] =	vst v63  }
0x34: {  	s19 =	simm.s32 $0x6400  }
0x35: {  	[tilespmem:s19], [sflag:$0x1] =	stream.indirect_vreg.gather [hbm4b:s3+s1], $0x80, v3, vm0, $0xb8;
	[tilespmem:$0x14400] =	vst v63  }
0x36: {  	s21 =	simm.s32 $0x6C00  }
0x37: {  	[tilespmem:s21], [sflag:$0x1] =	stream.indirect_vreg.gather [hbm4b:s8+s1], $0x80, v3, vm0, $0xb8;
	[tilespmem:$0x14400] =	vst v63  }
0x38: {  	s22 =	simm.s32 $0x7400  }
0x39: {  	[tilespmem:s22], [sflag:$0x1] =	stream.indirect_vreg.gather [hbm4b:s9+s1], $0x80, v3, vm0, $0xb8;
	[tilespmem:$0x14400] =	vst v63  }
0x3a: {  	s6 =	simm.s32 $0x7C00  }
0x3b: {  	[tilespmem:s6], [sflag:$0x1] =	stream.indirect_vreg.gather [hbm4b:s10+s1], $0x80, v3, vm0, $0xb8;
	[tilespmem:$0x14400] =	vst v63  }
0x3c: {  	v3 =	vld [tilespmem:$0x200];
	_ =	sdelay $0x4  }
0x3d: {  	v4 =	vshll.u32 v3, $0x3  }
0x3e: {  	v3 =	vand.u32 $0x7, v3;
	v4 =	vand.u32 $0xFFFFFFC0, v4  }
0x3f: {  	v3 =	vor.u32 v3, v4  }
0x40: {  	v4 =	vperm.xlane v3, v0;
	_ =	sdelay $0x1  }
0x41: {  	v4 =	vadd.s32 v1, v4;
	_ =	sdelay $0x3  }
0x42: {  	s7 =	simm.s32 $0x8400  }
0x43: {  	[tilespmem:s7], [sflag:$0x1] =	stream.indirect_vreg.gather [hbm4b:s3+s1], $0x80, v4, vm0, $0xb8;
	[tilespmem:$0x14400] =	vst v63  }
0x44: {  	s18 =	simm.s32 $0x8C00;
	v3 =	vperm.xlane v3, v2  }
0x45: {  	[tilespmem:s18], [sflag:$0x1] =	stream.indirect_vreg.gather [hbm4b:s8+s1], $0x80, v4, vm0, $0xb8;
	[tilespmem:$0x14400] =	vst v63  }
0x46: {  	s19 =	simm.s32 $0x9400;
	v3 =	vadd.s32 v1, v3  }
0x47: {  	[tilespmem:s19], [sflag:$0x1] =	stream.indirect_vreg.gather [hbm4b:s9+s1], $0x80, v4, vm0, $0xb8;
	[tilespmem:$0x14400] =	vst v63  }
0x48: {  	s21 =	simm.s32 $0x9C00  }
0x49: {  	[tilespmem:s21], [sflag:$0x1] =	stream.indirect_vreg.gather [hbm4b:s10+s1], $0x80, v4, vm0, $0xb8;
	[tilespmem:$0x14400] =	vst v63  }
0x4a: {  	s22 =	simm.s32 $0xA400  }
0x4b: {  	[tilespmem:s22], [sflag:$0x1] =	stream.indirect_vreg.gather [hbm4b:s3+s1], $0x80, v3, vm0, $0xb8;
	[tilespmem:$0x14400] =	vst v63  }
0x4c: {  	s6 =	simm.s32 $0xAC00  }
0x4d: {  	[tilespmem:s6], [sflag:$0x1] =	stream.indirect_vreg.gather [hbm4b:s8+s1], $0x80, v3, vm0, $0xb8;
	[tilespmem:$0x14400] =	vst v63  }
0x4e: {  	s7 =	simm.s32 $0xB400  }
0x4f: {  	[tilespmem:s7], [sflag:$0x1] =	stream.indirect_vreg.gather [hbm4b:s9+s1], $0x80, v3, vm0, $0xb8;
	[tilespmem:$0x14400] =	vst v63  }
0x50: {  	s18 =	simm.s32 $0xBC00  }
0x51: {  	[tilespmem:s18], [sflag:$0x1] =	stream.indirect_vreg.gather [hbm4b:s10+s1], $0x80, v3, vm0, $0xb8;
	[tilespmem:$0x14400] =	vst v63  }
0x52: {  	v3 =	vld [tilespmem:$0x80];
	_ =	sdelay $0x4  }
0x53: {  	v4 =	vshll.u32 v3, $0x3  }
0x54: {  	v3 =	vand.u32 $0x7, v3;
	v4 =	vand.u32 $0xFFFFFFC0, v4  }
0x55: {  	v3 =	vor.u32 v3, v4  }
0x56: {  	v4 =	vperm.xlane v3, v0;
	_ =	sdelay $0x1  }
0x57: {  	v4 =	vadd.s32 v1, v4;
	_ =	sdelay $0x4  }
0x58: {  	[tilespmem:s4], [sflag:$0x2] =	stream.indirect_vreg.gather [hbm4b:s3+s1], $0x80, v4, vm0, $0xb8;
	[tilespmem:$0x14400] =	vst v63  }
0x59: {  	s19 =	simm.s32 $0xCC00;
	v3 =	vperm.xlane v3, v2  }
0x5a: {  	[tilespmem:s19], [sflag:$0x2] =	stream.indirect_vreg.gather [hbm4b:s8+s1], $0x80, v4, vm0, $0xb8;
	[tilespmem:$0x14400] =	vst v63  }
0x5b: {  	s21 =	simm.s32 $0xD400;
	v3 =	vadd.s32 v1, v3  }
0x5c: {  	[tilespmem:s21], [sflag:$0x2] =	stream.indirect_vreg.gather [hbm4b:s9+s1], $0x80, v4, vm0, $0xb8;
	[tilespmem:$0x14400] =	vst v63  }
0x5d: {  	s22 =	simm.s32 $0xDC00  }
0x5e: {  	[tilespmem:s22], [sflag:$0x2] =	stream.indirect_vreg.gather [hbm4b:s10+s1], $0x80, v4, vm0, $0xb8;
	[tilespmem:$0x14400] =	vst v63  }
0x5f: {  	s6 =	simm.s32 $0xE400  }
0x60: {  	[tilespmem:s6], [sflag:$0x2] =	stream.indirect_vreg.gather [hbm4b:s3+s1], $0x80, v3, vm0, $0xb8;
	[tilespmem:$0x14400] =	vst v63  }
0x61: {  	s7 =	simm.s32 $0xEC00  }
0x62: {  	[tilespmem:s7], [sflag:$0x2] =	stream.indirect_vreg.gather [hbm4b:s8+s1], $0x80, v3, vm0, $0xb8;
	[tilespmem:$0x14400] =	vst v63  }
0x63: {  	_ = 	snop  }
0x64: {  	[tilespmem:s23], [sflag:$0x2] =	stream.indirect_vreg.gather [hbm4b:s9+s1], $0x80, v3, vm0, $0xb8;
	[tilespmem:$0x14400] =	vst v63  }
0x65: {  	_ = 	snop  }
0x66: {  	[tilespmem:s24], [sflag:$0x2] =	stream.indirect_vreg.gather [hbm4b:s10+s1], $0x80, v3, vm0, $0xb8;
	[tilespmem:$0x14400] =	vst v63  }
0x67: {  	v3 =	vld [tilespmem:$0x280];
	_ =	sdelay $0x4  }
0x68: {  	v4 =	vshll.u32 v3, $0x3  }
0x69: {  	v3 =	vand.u32 $0x7, v3;
	v4 =	vand.u32 $0xFFFFFFC0, v4  }
0x6a: {  	v3 =	vor.u32 v3, v4  }
0x6b: {  	v4 =	vperm.xlane v3, v0;
	_ =	sdelay $0x1  }
0x6c: {  	v4 =	vadd.s32 v1, v4;
	_ =	sdelay $0x4  }
0x6d: {  	[tilespmem:s12], [sflag:$0x2] =	stream.indirect_vreg.gather [hbm4b:s3+s1], $0x80, v4, vm0, $0xb8;
	[tilespmem:$0x14400] =	vst v63  }
0x6e: {  	v3 =	vperm.xlane v3, v2  }
0x6f: {  	[tilespmem:s25], [sflag:$0x2] =	stream.indirect_vreg.gather [hbm4b:s8+s1], $0x80, v4, vm0, $0xb8;
	[tilespmem:$0x14400] =	vst v63  }
0x70: {  	v3 =	vadd.s32 v1, v3  }
0x71: {  	[tilespmem:s13], [sflag:$0x2] =	stream.indirect_vreg.gather [hbm4b:s9+s1], $0x80, v4, vm0, $0xb8;
	[tilespmem:$0x14400] =	vst v63  }
0x72: {  	_ = 	snop  }
0x73: {  	[tilespmem:s26], [sflag:$0x2] =	stream.indirect_vreg.gather [hbm4b:s10+s1], $0x80, v4, vm0, $0xb8;
	[tilespmem:$0x14400] =	vst v63  }
0x74: {  	_ = 	snop  }
0x75: {  	[tilespmem:s14], [sflag:$0x2] =	stream.indirect_vreg.gather [hbm4b:s3+s1], $0x80, v3, vm0, $0xb8;
	[tilespmem:$0x14400] =	vst v63  }
0x76: {  	_ = 	snop  }
0x77: {  	[tilespmem:s28], [sflag:$0x2] =	stream.indirect_vreg.gather [hbm4b:s8+s1], $0x80, v3, vm0, $0xb8;
	[tilespmem:$0x14400] =	vst v63  }
0x78: {  	_ = 	snop  }
0x79: {  	[tilespmem:s15], [sflag:$0x2] =	stream.indirect_vreg.gather [hbm4b:s9+s1], $0x80, v3, vm0, $0xb8;
	[tilespmem:$0x14400] =	vst v63  }
0x7a: {  	_ = 	snop  }
0x7b: {  	[tilespmem:s29], [sflag:$0x2] =	stream.indirect_vreg.gather [hbm4b:s10+s1], $0x80, v3, vm0, $0xb8;
	[tilespmem:$0x14400] =	vst v63  }
0x7c: {  	_ =	swait.ge [sflag:s30], $0x4000  }
0x7d: {  	[sflag:s30] =	ssyncset.done $0x0  }
0x7e: {  	[sflag:s30] =	ssyncadd.s32 $0xFFFFC000  }
0x7f: {  	s19 =	simm.s32 $0x0;
	_ =	swait.ge [sflag:s30], $0x4000  }
0x80: {  	s18 =	sand.u32 $0x2000, s19;
	[sflag:s30] =	ssyncset.done $0x0  }
0x81: {  	s21 =	sand.u32 $0x1C00, s1;
	s7 =	sand.u32 $0x780, s1;
	[sflag:s30] =	ssyncadd.s32 $0xFFFFC000  }
0x82: {  	s5 =	sor.u32 s18, s21;
	s22 =	sand.u32 $0x380, s1;
	v3 =	vld [tilespmem:s7+$0x400]  }
0x83: {  	s18 =	sor.u32 s22, s5;
	v4 =	vld [tilespmem:s7+$0x2400]  }
0x84: {  	v5 =	vld [tilespmem:s18+$0x4470]  }
0x85: {  	v6 =	vld [tilespmem:s18+$0x8470]  }
0x86: {  	v7 =	vld [tilespmem:s18+$0x4400]  }
0x87: {  	v8 =	vld [tilespmem:s18+$0x8400]  }
0x88: {  	v10 =	vld [tilespmem:s18+$0x4410]  }
0x89: {  	v11 =	vld [tilespmem:s18+$0x8410]  }
0x8a: {  	v12 =	vld [tilespmem:s18+$0x4420]  }
0x8b: {  	v13 =	vld [tilespmem:s18+$0x8420];
	v5 =	vmul.f32 v5, v3;
	v6 =	vmul.f32 v6, v4  }
0x8c: {  	v14 =	vld [tilespmem:s18+$0x4430];
	v15 =	vmul.f32 v3, v7;
	v8 =	vmul.f32 v4, v8  }
0x8d: {  	v9 =	vld [tilespmem:s18+$0x8430];
	v10 =	vmul.f32 v10, v3  }
0x8e: {  	v7 =	vld [tilespmem:s18+$0x4440];
	v6 =	vadd.f32 v6, v5;
	v8 =	vadd.f32 v8, v15;
	v15 =	vmul.f32 v11, v4  }
0x8f: {  	v5 =	vld [tilespmem:s18+$0x8440]  }
0x90: {  	v13 =	vmul.f32 v13, v4;
	v11 =	vmul.f32 v12, v3;
	[tilespmem:s18+$0x4470] =	vst v6;
	v6 =	vld [tilespmem:s18+$0x4450];
	v12 =	vadd.f32 v15, v10  }
0x91: {  	s5 =	simm.s32 $0x0;
	s6 =	simm.s32 $0x0;
	[tilespmem:s18+$0x4400] =	vst v8;
	v10 =	vmul.f32 v14, v3;
	v8 =	vld [tilespmem:s18+$0x8450]  }
.LBB2_2:
0x92: {  	s19 =	sadd.s32 $0x80, s19;
	[tilespmem:s18+$0x4410] =	vst v12;
	v11 =	vadd.f32 v13, v11;
	v9 =	vmul.f32 v9, v4;
	v12 =	vld [tilespmem:s18+$0x4460];
	s5 =	sadd.s32 $0x400, s5;
	s6 =	sadd.s32 $0x10, s6  }
0x93: {  	s7 =	sand.u32 $0x2000, s19;
	s21 =	sand.u32 $0x1C00, s5;
	s22 =	sand.u32 $0x780, s6;
	v7 =	vmul.f32 v7, v3;
	v13 =	vld [tilespmem:s18+$0x8460]  }
0x94: {  	p0 =	slt.u32 s19, $0x3F80;
	s7 =	sor.u32 s7, s21;
	s21 =	sand.u32 $0x380, s6;
	v14 =	vld [tilespmem:s22+$0x400];
	[tilespmem:s18+$0x4420] =	vst v11;
	v9 =	vadd.f32 v9, v10;
	v5 =	vmul.f32 v5, v4  }
0x95: {  	s7 =	sor.u32 s21, s7;
	v10 =	vld [tilespmem:s22+$0x2400];
	v6 =	vmul.f32 v6, v3  }
0x96: {  	v11 =	vld [tilespmem:s7+$0x4470];
	[tilespmem:s18+$0x4430] =	vst v9;
	v5 =	vadd.f32 v5, v7;
	v7 =	vmul.f32 v8, v4  }
0x97: {  	v8 =	vld [tilespmem:s7+$0x8470];
	v9 =	vmul.f32 v12, v3  }
0x98: {  	v12 =	vld [tilespmem:s7+$0x4400];
	[tilespmem:s18+$0x4440] =	vst v5;
	v5 =	vadd.f32 v7, v6;
	v13 =	vmul.f32 v13, v4  }
0x99: {  	v6 =	vld [tilespmem:s7+$0x8400];
	v3 =	vmov v14  }
0x9a: {  	v7 =	vld [tilespmem:s7+$0x4410];
	[tilespmem:s18+$0x4450] =	vst v5;
	v5 =	vadd.f32 v13, v9;
	v4 =	vmov v10  }
0x9b: {  	v10 =	vld [tilespmem:s7+$0x8410]  }
0x9c: {  	v9 =	vmul.f32 v11, v3;
	v13 =	vld [tilespmem:s7+$0x4420];
	v8 =	vmul.f32 v8, v4;
	[tilespmem:s18+$0x4460] =	vst v5;
	s18 =	smov.u32 s7  }
0x9d: {  	v5 =	vmul.f32 v3, v12;
	v14 =	vld [tilespmem:s18+$0x8420]  }
0x9e: {  	v6 =	vmul.f32 v4, v6;
	v15 =	vld [tilespmem:s18+$0x4430];
	v8 =	vadd.f32 v8, v9  }
.Ltmp0:
0x9f: {  	v12 =	vmul.f32 v7, v3;
	v9 =	vld [tilespmem:s18+$0x8430];
	(pc) =	sbr.rel @p0 .LBB2_2-.Ltmp0, $4  }
0xa0: {  	v6 =	vadd.f32 v6, v5;
	v10 =	vmul.f32 v10, v4;
	v7 =	vld [tilespmem:s18+$0x4440];
	[tilespmem:s18+$0x4470] =	vst v8  }
0xa1: {  	v11 =	vmul.f32 v13, v3;
	v5 =	vld [tilespmem:s18+$0x8440]  }
0xa2: {  	[tilespmem:s18+$0x4400] =	vst v6;
	v12 =	vadd.f32 v10, v12;
	v13 =	vmul.f32 v14, v4;
	v6 =	vld [tilespmem:s18+$0x4450]  }
0xa3: {  	v10 =	vmul.f32 v15, v3;
	v8 =	vld [tilespmem:s18+$0x8450]  }
0xa4: {  	v14 =	vld [tilespmem:s18+$0x4460]  }
0xa5: {  	v15 =	vld [tilespmem:s18+$0x8460];
	_ =	sdelay $0x1  }
0xa6: {  	v9 =	vmul.f32 v9, v4  }
0xa7: {  	v11 =	vadd.f32 v13, v11;
	v7 =	vmul.f32 v7, v3;
	v5 =	vmul.f32 v5, v4  }
0xa8: {  	[tilespmem:s18+$0x4410] =	vst v12;
	v9 =	vadd.f32 v9, v10;
	v6 =	vmul.f32 v6, v3;
	v8 =	vmul.f32 v8, v4  }
0xa9: {  	[tilespmem:s18+$0x4420] =	vst v11;
	v5 =	vadd.f32 v5, v7;
	v3 =	vmul.f32 v14, v3;
	v4 =	vmul.f32 v15, v4  }
0xaa: {  	[tilespmem:s18+$0x4430] =	vst v9;
	v6 =	vadd.f32 v8, v6  }
0xab: {  	[tilespmem:s18+$0x4440] =	vst v5;
	v3 =	vadd.f32 v4, v3  }
0xac: {  	[tilespmem:s18+$0x4450] =	vst v6  }
0xad: {  	[tilespmem:s18+$0x4460] =	vst v3;
	s18 =	simm.s32 $0x0  }
0xae: {  	[hbm4b:s11+s18] =	stream.linear.scatter [tilespmem:s20], [sflag:$0x3], $0x4000, $0x38;
	[tilespmem:$0x14400] =	vst v63  }
0xaf: {  	_ =	swait.ge [sflag:s31], $0x4000  }
0xb0: {  	[sflag:s31] =	ssyncset.done $0x0  }
0xb1: {  	[sflag:s31] =	ssyncadd.s32 $0xFFFFC000  }
0xb2: {  	v3 =	vld [tilespmem:$0x100];
	_ =	sdelay $0x4  }
0xb3: {  	v4 =	vshll.u32 v3, $0x3  }
0xb4: {  	v3 =	vand.u32 $0x7, v3;
	v4 =	vand.u32 $0xFFFFFFC0, v4  }
0xb5: {  	v3 =	vor.u32 v3, v4  }
0xb6: {  	v4 =	vperm.xlane v3, v0;
	_ =	sdelay $0x1  }
0xb7: {  	v4 =	vadd.s32 v1, v4;
	_ =	sdelay $0x4  }
0xb8: {  	[tilespmem:s20], [sflag:$0x1] =	stream.indirect_vreg.gather [hbm4b:s3+s18], $0x80, v4, vm0, $0xb8;
	[tilespmem:$0x14400] =	vst v63  }
0xb9: {  	s5 =	simm.s32 $0x4C00;
	v3 =	vperm.xlane v3, v2  }
0xba: {  	[tilespmem:s5], [sflag:$0x1] =	stream.indirect_vreg.gather [hbm4b:s8+s18], $0x80, v4, vm0, $0xb8;
	[tilespmem:$0x14400] =	vst v63  }
0xbb: {  	s6 =	simm.s32 $0x5400;
	v3 =	vadd.s32 v1, v3  }
0xbc: {  	[tilespmem:s6], [sflag:$0x1] =	stream.indirect_vreg.gather [hbm4b:s9+s18], $0x80, v4, vm0, $0xb8;
	[tilespmem:$0x14400] =	vst v63  }
0xbd: {  	s7 =	simm.s32 $0x5C00  }
0xbe: {  	[tilespmem:s7], [sflag:$0x1] =	stream.indirect_vreg.gather [hbm4b:s10+s18], $0x80, v4, vm0, $0xb8;
	[tilespmem:$0x14400] =	vst v63  }
0xbf: {  	s19 =	simm.s32 $0x6400  }
0xc0: {  	[tilespmem:s19], [sflag:$0x1] =	stream.indirect_vreg.gather [hbm4b:s3+s18], $0x80, v3, vm0, $0xb8;
	[tilespmem:$0x14400] =	vst v63  }
0xc1: {  	s21 =	simm.s32 $0x6C00  }
0xc2: {  	[tilespmem:s21], [sflag:$0x1] =	stream.indirect_vreg.gather [hbm4b:s8+s18], $0x80, v3, vm0, $0xb8;
	[tilespmem:$0x14400] =	vst v63  }
0xc3: {  	s22 =	simm.s32 $0x7400  }
0xc4: {  	[tilespmem:s22], [sflag:$0x1] =	stream.indirect_vreg.gather [hbm4b:s9+s18], $0x80, v3, vm0, $0xb8;
	[tilespmem:$0x14400] =	vst v63  }
0xc5: {  	s6 =	simm.s32 $0x7C00  }
0xc6: {  	[tilespmem:s6], [sflag:$0x1] =	stream.indirect_vreg.gather [hbm4b:s10+s18], $0x80, v3, vm0, $0xb8;
	[tilespmem:$0x14400] =	vst v63  }
0xc7: {  	v3 =	vld [tilespmem:$0x300];
	_ =	sdelay $0x4  }
0xc8: {  	v4 =	vshll.u32 v3, $0x3  }
0xc9: {  	v3 =	vand.u32 $0x7, v3;
	v4 =	vand.u32 $0xFFFFFFC0, v4  }
0xca: {  	v3 =	vor.u32 v3, v4  }
0xcb: {  	v4 =	vperm.xlane v3, v0;
	_ =	sdelay $0x1  }
0xcc: {  	v4 =	vadd.s32 v1, v4;
	_ =	sdelay $0x3  }
0xcd: {  	s7 =	simm.s32 $0x8400  }
0xce: {  	[tilespmem:s7], [sflag:$0x1] =	stream.indirect_vreg.gather [hbm4b:s3+s18], $0x80, v4, vm0, $0xb8;
	[tilespmem:$0x14400] =	vst v63  }
0xcf: {  	s19 =	simm.s32 $0x8C00;
	v3 =	vperm.xlane v3, v2  }
0xd0: {  	[tilespmem:s19], [sflag:$0x1] =	stream.indirect_vreg.gather [hbm4b:s8+s18], $0x80, v4, vm0, $0xb8;
	[tilespmem:$0x14400] =	vst v63  }
0xd1: {  	s21 =	simm.s32 $0x9400;
	v3 =	vadd.s32 v1, v3  }
0xd2: {  	[tilespmem:s21], [sflag:$0x1] =	stream.indirect_vreg.gather [hbm4b:s9+s18], $0x80, v4, vm0, $0xb8;
	[tilespmem:$0x14400] =	vst v63  }
0xd3: {  	s22 =	simm.s32 $0x9C00  }
0xd4: {  	[tilespmem:s22], [sflag:$0x1] =	stream.indirect_vreg.gather [hbm4b:s10+s18], $0x80, v4, vm0, $0xb8;
	[tilespmem:$0x14400] =	vst v63  }
0xd5: {  	s6 =	simm.s32 $0xA400  }
0xd6: {  	[tilespmem:s6], [sflag:$0x1] =	stream.indirect_vreg.gather [hbm4b:s3+s18], $0x80, v3, vm0, $0xb8;
	[tilespmem:$0x14400] =	vst v63  }
0xd7: {  	s7 =	simm.s32 $0xAC00  }
0xd8: {  	[tilespmem:s7], [sflag:$0x1] =	stream.indirect_vreg.gather [hbm4b:s8+s18], $0x80, v3, vm0, $0xb8;
	[tilespmem:$0x14400] =	vst v63  }
0xd9: {  	s19 =	simm.s32 $0xB400  }
0xda: {  	[tilespmem:s19], [sflag:$0x1] =	stream.indirect_vreg.gather [hbm4b:s9+s18], $0x80, v3, vm0, $0xb8;
	[tilespmem:$0x14400] =	vst v63  }
0xdb: {  	s21 =	simm.s32 $0xBC00  }
0xdc: {  	[tilespmem:s21], [sflag:$0x1] =	stream.indirect_vreg.gather [hbm4b:s10+s18], $0x80, v3, vm0, $0xb8;
	[tilespmem:$0x14400] =	vst v63  }
0xdd: {  	_ =	swait.ge [sflag:s0], $0x4000  }
0xde: {  	[sflag:s0] =	ssyncset.done $0x0  }
0xdf: {  	[sflag:s0] =	ssyncadd.s32 $0xFFFFC000  }
0xe0: {  	s5 =	simm.s32 $0x0;
	_ =	swait.ge [sflag:s0], $0x4000  }
0xe1: {  	s6 =	sand.u32 $0x2000, s5;
	[sflag:s0] =	ssyncset.done $0x0  }
0xe2: {  	s7 =	sand.u32 $0x1C00, s18;
	s21 =	sand.u32 $0x780, s18;
	[sflag:s0] =	ssyncadd.s32 $0xFFFFC000  }
0xe3: {  	s22 =	sand.u32 $0x380, s18;
	s6 =	sor.u32 s6, s7;
	v3 =	vld [tilespmem:s21+$0xC00]  }
0xe4: {  	s19 =	sor.u32 s22, s6;
	v4 =	vld [tilespmem:s21+$0x2C00]  }
0xe5: {  	v5 =	vld [tilespmem:s19+$0xC470]  }
0xe6: {  	v6 =	vld [tilespmem:s19+$0x10470]  }
0xe7: {  	v7 =	vld [tilespmem:s19+$0xC400]  }
0xe8: {  	v8 =	vld [tilespmem:s19+$0x10400]  }
0xe9: {  	v10 =	vld [tilespmem:s19+$0xC410]  }
0xea: {  	v11 =	vld [tilespmem:s19+$0x10410]  }
0xeb: {  	v12 =	vld [tilespmem:s19+$0xC420]  }
0xec: {  	v13 =	vld [tilespmem:s19+$0x10420];
	v5 =	vmul.f32 v5, v3;
	v6 =	vmul.f32 v6, v4  }
0xed: {  	v14 =	vld [tilespmem:s19+$0xC430];
	v15 =	vmul.f32 v3, v7;
	v8 =	vmul.f32 v4, v8  }
0xee: {  	v9 =	vld [tilespmem:s19+$0x10430];
	v10 =	vmul.f32 v10, v3  }
0xef: {  	v7 =	vld [tilespmem:s19+$0xC440];
	v6 =	vadd.f32 v6, v5;
	v8 =	vadd.f32 v8, v15;
	v15 =	vmul.f32 v11, v4  }
0xf0: {  	v5 =	vld [tilespmem:s19+$0x10440]  }
0xf1: {  	v13 =	vmul.f32 v13, v4;
	v11 =	vmul.f32 v12, v3;
	[tilespmem:s19+$0xC470] =	vst v6;
	v6 =	vld [tilespmem:s19+$0xC450];
	v12 =	vadd.f32 v15, v10  }
0xf2: {  	s6 =	simm.s32 $0x0;
	[tilespmem:s19+$0xC400] =	vst v8;
	v10 =	vmul.f32 v14, v3;
	v8 =	vld [tilespmem:s19+$0x10450]  }
.LBB2_4:
0xf3: {  	s5 =	sadd.s32 $0x80, s5;
	[tilespmem:s19+$0xC410] =	vst v12;
	v11 =	vadd.f32 v13, v11;
	v9 =	vmul.f32 v9, v4;
	v12 =	vld [tilespmem:s19+$0xC460];
	s18 =	sadd.s32 $0x400, s18;
	s6 =	sadd.s32 $0x10, s6  }
0xf4: {  	s7 =	sand.u32 $0x2000, s5;
	s21 =	sand.u32 $0x1C00, s18;
	s22 =	sand.u32 $0x780, s6;
	v7 =	vmul.f32 v7, v3;
	v13 =	vld [tilespmem:s19+$0x10460]  }
0xf5: {  	p0 =	slt.u32 s5, $0x3F80;
	s7 =	sor.u32 s7, s21;
	s21 =	sand.u32 $0x380, s6;
	v14 =	vld [tilespmem:s22+$0xC00];
	[tilespmem:s19+$0xC420] =	vst v11;
	v9 =	vadd.f32 v9, v10;
	v5 =	vmul.f32 v5, v4  }
0xf6: {  	s7 =	sor.u32 s21, s7;
	v10 =	vld [tilespmem:s22+$0x2C00];
	v6 =	vmul.f32 v6, v3  }
0xf7: {  	v11 =	vld [tilespmem:s7+$0xC470];
	[tilespmem:s19+$0xC430] =	vst v9;
	v5 =	vadd.f32 v5, v7;
	v7 =	vmul.f32 v8, v4  }
0xf8: {  	v8 =	vld [tilespmem:s7+$0x10470];
	v9 =	vmul.f32 v12, v3  }
0xf9: {  	v12 =	vld [tilespmem:s7+$0xC400];
	[tilespmem:s19+$0xC440] =	vst v5;
	v5 =	vadd.f32 v7, v6;
	v13 =	vmul.f32 v13, v4  }
0xfa: {  	v6 =	vld [tilespmem:s7+$0x10400];
	v3 =	vmov v14  }
0xfb: {  	v7 =	vld [tilespmem:s7+$0xC410];
	[tilespmem:s19+$0xC450] =	vst v5;
	v5 =	vadd.f32 v13, v9;
	v4 =	vmov v10  }
0xfc: {  	v10 =	vld [tilespmem:s7+$0x10410]  }
0xfd: {  	v9 =	vmul.f32 v11, v3;
	v13 =	vld [tilespmem:s7+$0xC420];
	v8 =	vmul.f32 v8, v4;
	[tilespmem:s19+$0xC460] =	vst v5;
	s19 =	smov.u32 s7  }
0xfe: {  	v5 =	vmul.f32 v3, v12;
	v14 =	vld [tilespmem:s19+$0x10420]  }
0xff: {  	v6 =	vmul.f32 v4, v6;
	v15 =	vld [tilespmem:s19+$0xC430];
	v8 =	vadd.f32 v8, v9  }
.Ltmp1:
0x100: {  	v12 =	vmul.f32 v7, v3;
	v9 =	vld [tilespmem:s19+$0x10430];
	(pc) =	sbr.rel @p0 .LBB2_4-.Ltmp1, $4  }
0x101: {  	v6 =	vadd.f32 v6, v5;
	v10 =	vmul.f32 v10, v4;
	v7 =	vld [tilespmem:s19+$0xC440];
	[tilespmem:s19+$0xC470] =	vst v8  }
0x102: {  	v11 =	vmul.f32 v13, v3;
	v5 =	vld [tilespmem:s19+$0x10440]  }
0x103: {  	[tilespmem:s19+$0xC400] =	vst v6;
	v12 =	vadd.f32 v10, v12;
	v13 =	vmul.f32 v14, v4;
	v6 =	vld [tilespmem:s19+$0xC450]  }
0x104: {  	v10 =	vmul.f32 v15, v3;
	v8 =	vld [tilespmem:s19+$0x10450]  }
0x105: {  	v14 =	vld [tilespmem:s19+$0xC460]  }
0x106: {  	v15 =	vld [tilespmem:s19+$0x10460];
	_ =	sdelay $0x1  }
0x107: {  	v9 =	vmul.f32 v9, v4  }
0x108: {  	v11 =	vadd.f32 v13, v11;
	v7 =	vmul.f32 v7, v3;
	v5 =	vmul.f32 v5, v4  }
0x109: {  	[tilespmem:s19+$0xC410] =	vst v12;
	v9 =	vadd.f32 v9, v10;
	v6 =	vmul.f32 v6, v3;
	v8 =	vmul.f32 v8, v4  }
0x10a: {  	[tilespmem:s19+$0xC420] =	vst v11;
	v5 =	vadd.f32 v5, v7;
	v3 =	vmul.f32 v14, v3;
	v4 =	vmul.f32 v15, v4  }
0x10b: {  	[tilespmem:s19+$0xC430] =	vst v9;
	v6 =	vadd.f32 v8, v6  }
0x10c: {  	[tilespmem:s19+$0xC440] =	vst v5;
	v3 =	vadd.f32 v4, v3  }
0x10d: {  	[tilespmem:s19+$0xC450] =	vst v6  }
0x10e: {  	[tilespmem:s19+$0xC460] =	vst v3  }
0x10f: {  	s18 =	simm.s32 $0x0;
	s5 =	rddreg [dreg:$0x7]  }
0x110: {  	[hbm4b:s5+s18] =	stream.linear.scatter [tilespmem:s4], [sflag:$0x4], $0x4000, $0x38;
	[tilespmem:$0x14400] =	vst v63  }
0x111: {  	_ =	swait.ge [sflag:s2], $0x4000  }
0x112: {  	[sflag:s2] =	ssyncset.done $0x0  }
0x113: {  	[sflag:s2] =	ssyncadd.s32 $0xFFFFC000  }
0x114: {  	v3 =	vld [tilespmem:$0x180];
	_ =	sdelay $0x4  }
0x115: {  	v4 =	vshll.u32 v3, $0x3  }
0x116: {  	v3 =	vand.u32 $0x7, v3;
	v4 =	vand.u32 $0xFFFFFFC0, v4  }
0x117: {  	v3 =	vor.u32 v3, v4  }
0x118: {  	v4 =	vperm.xlane v3, v0;
	_ =	sdelay $0x1  }
0x119: {  	v4 =	vadd.s32 v1, v4;
	_ =	sdelay $0x4  }
0x11a: {  	[tilespmem:s4], [sflag:$0x2] =	stream.indirect_vreg.gather [hbm4b:s3+s18], $0x80, v4, vm0, $0xb8;
	[tilespmem:$0x14400] =	vst v63  }
0x11b: {  	s22 =	simm.s32 $0xCC00;
	v3 =	vperm.xlane v3, v2  }
0x11c: {  	[tilespmem:s22], [sflag:$0x2] =	stream.indirect_vreg.gather [hbm4b:s8+s18], $0x80, v4, vm0, $0xb8;
	[tilespmem:$0x14400] =	vst v63  }
0x11d: {  	s6 =	simm.s32 $0xD400;
	v3 =	vadd.s32 v1, v3  }
0x11e: {  	[tilespmem:s6], [sflag:$0x2] =	stream.indirect_vreg.gather [hbm4b:s9+s18], $0x80, v4, vm0, $0xb8;
	[tilespmem:$0x14400] =	vst v63  }
0x11f: {  	s7 =	simm.s32 $0xDC00  }
0x120: {  	[tilespmem:s7], [sflag:$0x2] =	stream.indirect_vreg.gather [hbm4b:s10+s18], $0x80, v4, vm0, $0xb8;
	[tilespmem:$0x14400] =	vst v63  }
0x121: {  	s19 =	simm.s32 $0xE400  }
0x122: {  	[tilespmem:s19], [sflag:$0x2] =	stream.indirect_vreg.gather [hbm4b:s3+s18], $0x80, v3, vm0, $0xb8;
	[tilespmem:$0x14400] =	vst v63  }
0x123: {  	s21 =	simm.s32 $0xEC00  }
0x124: {  	[tilespmem:s21], [sflag:$0x2] =	stream.indirect_vreg.gather [hbm4b:s8+s18], $0x80, v3, vm0, $0xb8;
	[tilespmem:$0x14400] =	vst v63  }
0x125: {  	_ = 	snop  }
0x126: {  	[tilespmem:s23], [sflag:$0x2] =	stream.indirect_vreg.gather [hbm4b:s9+s18], $0x80, v3, vm0, $0xb8;
	[tilespmem:$0x14400] =	vst v63  }
0x127: {  	_ = 	snop  }
0x128: {  	[tilespmem:s24], [sflag:$0x2] =	stream.indirect_vreg.gather [hbm4b:s10+s18], $0x80, v3, vm0, $0xb8;
	[tilespmem:$0x14400] =	vst v63  }
0x129: {  	v3 =	vld [tilespmem:$0x380];
	_ =	sdelay $0x4  }
0x12a: {  	v4 =	vshll.u32 v3, $0x3  }
0x12b: {  	v3 =	vand.u32 $0x7, v3;
	v4 =	vand.u32 $0xFFFFFFC0, v4  }
0x12c: {  	v3 =	vor.u32 v3, v4  }
0x12d: {  	v4 =	vperm.xlane v3, v0;
	_ =	sdelay $0x1  }
0x12e: {  	v4 =	vadd.s32 v1, v4;
	_ =	sdelay $0x4  }
0x12f: {  	[tilespmem:s12], [sflag:$0x2] =	stream.indirect_vreg.gather [hbm4b:s3+s18], $0x80, v4, vm0, $0xb8;
	[tilespmem:$0x14400] =	vst v63  }
0x130: {  	v3 =	vperm.xlane v3, v2  }
0x131: {  	[tilespmem:s25], [sflag:$0x2] =	stream.indirect_vreg.gather [hbm4b:s8+s18], $0x80, v4, vm0, $0xb8;
	[tilespmem:$0x14400] =	vst v63  }
0x132: {  	v3 =	vadd.s32 v1, v3  }
0x133: {  	[tilespmem:s13], [sflag:$0x2] =	stream.indirect_vreg.gather [hbm4b:s9+s18], $0x80, v4, vm0, $0xb8;
	[tilespmem:$0x14400] =	vst v63  }
0x134: {  	_ = 	snop  }
0x135: {  	[tilespmem:s26], [sflag:$0x2] =	stream.indirect_vreg.gather [hbm4b:s10+s18], $0x80, v4, vm0, $0xb8;
	[tilespmem:$0x14400] =	vst v63  }
0x136: {  	_ = 	snop  }
0x137: {  	[tilespmem:s14], [sflag:$0x2] =	stream.indirect_vreg.gather [hbm4b:s3+s18], $0x80, v3, vm0, $0xb8;
	[tilespmem:$0x14400] =	vst v63  }
0x138: {  	_ = 	snop  }
0x139: {  	[tilespmem:s28], [sflag:$0x2] =	stream.indirect_vreg.gather [hbm4b:s8+s18], $0x80, v3, vm0, $0xb8;
	[tilespmem:$0x14400] =	vst v63  }
0x13a: {  	_ = 	snop  }
0x13b: {  	[tilespmem:s15], [sflag:$0x2] =	stream.indirect_vreg.gather [hbm4b:s9+s18], $0x80, v3, vm0, $0xb8;
	[tilespmem:$0x14400] =	vst v63  }
0x13c: {  	_ = 	snop  }
0x13d: {  	[tilespmem:s29], [sflag:$0x2] =	stream.indirect_vreg.gather [hbm4b:s10+s18], $0x80, v3, vm0, $0xb8;
	[tilespmem:$0x14400] =	vst v63  }
0x13e: {  	_ =	swait.ge [sflag:s30], $0x4000  }
0x13f: {  	[sflag:s30] =	ssyncset.done $0x0  }
0x140: {  	[sflag:s30] =	ssyncadd.s32 $0xFFFFC000  }
0x141: {  	s5 =	simm.s32 $0x0;
	_ =	swait.ge [sflag:s30], $0x4000  }
0x142: {  	s6 =	sand.u32 $0x2000, s5;
	[sflag:s30] =	ssyncset.done $0x0  }
0x143: {  	s7 =	sand.u32 $0x1C00, s18;
	s21 =	sand.u32 $0x780, s18;
	[sflag:s30] =	ssyncadd.s32 $0xFFFFC000  }
0x144: {  	s22 =	sand.u32 $0x380, s18;
	s6 =	sor.u32 s6, s7;
	v3 =	vld [tilespmem:s21+$0x1400]  }
0x145: {  	s19 =	sor.u32 s22, s6;
	v4 =	vld [tilespmem:s21+$0x3400]  }
0x146: {  	v5 =	vld [tilespmem:s19+$0x4470]  }
0x147: {  	v6 =	vld [tilespmem:s19+$0x8470]  }
0x148: {  	v7 =	vld [tilespmem:s19+$0x4400]  }
0x149: {  	v8 =	vld [tilespmem:s19+$0x8400]  }
0x14a: {  	v10 =	vld [tilespmem:s19+$0x4410]  }
0x14b: {  	v11 =	vld [tilespmem:s19+$0x8410]  }
0x14c: {  	v12 =	vld [tilespmem:s19+$0x4420]  }
0x14d: {  	v13 =	vld [tilespmem:s19+$0x8420];
	v5 =	vmul.f32 v5, v3;
	v6 =	vmul.f32 v6, v4  }
0x14e: {  	v14 =	vld [tilespmem:s19+$0x4430];
	v15 =	vmul.f32 v3, v7;
	v8 =	vmul.f32 v4, v8  }
0x14f: {  	v9 =	vld [tilespmem:s19+$0x8430];
	v10 =	vmul.f32 v10, v3  }
0x150: {  	v7 =	vld [tilespmem:s19+$0x4440];
	v6 =	vadd.f32 v6, v5;
	v8 =	vadd.f32 v8, v15;
	v15 =	vmul.f32 v11, v4  }
0x151: {  	v5 =	vld [tilespmem:s19+$0x8440]  }
0x152: {  	v13 =	vmul.f32 v13, v4;
	v11 =	vmul.f32 v12, v3;
	[tilespmem:s19+$0x4470] =	vst v6;
	v6 =	vld [tilespmem:s19+$0x4450];
	v12 =	vadd.f32 v15, v10  }
0x153: {  	s6 =	simm.s32 $0x0;
	[tilespmem:s19+$0x4400] =	vst v8;
	v10 =	vmul.f32 v14, v3;
	v8 =	vld [tilespmem:s19+$0x8450]  }
.LBB2_6:
0x154: {  	s5 =	sadd.s32 $0x80, s5;
	[tilespmem:s19+$0x4410] =	vst v12;
	v11 =	vadd.f32 v13, v11;
	v9 =	vmul.f32 v9, v4;
	v12 =	vld [tilespmem:s19+$0x4460];
	s18 =	sadd.s32 $0x400, s18;
	s6 =	sadd.s32 $0x10, s6  }
0x155: {  	s7 =	sand.u32 $0x2000, s5;
	s21 =	sand.u32 $0x1C00, s18;
	s22 =	sand.u32 $0x780, s6;
	v7 =	vmul.f32 v7, v3;
	v13 =	vld [tilespmem:s19+$0x8460]  }
0x156: {  	p0 =	slt.u32 s5, $0x3F80;
	s7 =	sor.u32 s7, s21;
	s21 =	sand.u32 $0x380, s6;
	v14 =	vld [tilespmem:s22+$0x1400];
	[tilespmem:s19+$0x4420] =	vst v11;
	v9 =	vadd.f32 v9, v10;
	v5 =	vmul.f32 v5, v4  }
0x157: {  	s7 =	sor.u32 s21, s7;
	v10 =	vld [tilespmem:s22+$0x3400];
	v6 =	vmul.f32 v6, v3  }
0x158: {  	v11 =	vld [tilespmem:s7+$0x4470];
	[tilespmem:s19+$0x4430] =	vst v9;
	v5 =	vadd.f32 v5, v7;
	v7 =	vmul.f32 v8, v4  }
0x159: {  	v8 =	vld [tilespmem:s7+$0x8470];
	v9 =	vmul.f32 v12, v3  }
0x15a: {  	v12 =	vld [tilespmem:s7+$0x4400];
	[tilespmem:s19+$0x4440] =	vst v5;
	v5 =	vadd.f32 v7, v6;
	v13 =	vmul.f32 v13, v4  }
0x15b: {  	v6 =	vld [tilespmem:s7+$0x8400];
	v3 =	vmov v14  }
0x15c: {  	v7 =	vld [tilespmem:s7+$0x4410];
	[tilespmem:s19+$0x4450] =	vst v5;
	v5 =	vadd.f32 v13, v9;
	v4 =	vmov v10  }
0x15d: {  	v10 =	vld [tilespmem:s7+$0x8410]  }
0x15e: {  	v9 =	vmul.f32 v11, v3;
	v13 =	vld [tilespmem:s7+$0x4420];
	v8 =	vmul.f32 v8, v4;
	[tilespmem:s19+$0x4460] =	vst v5;
	s19 =	smov.u32 s7  }
0x15f: {  	v5 =	vmul.f32 v3, v12;
	v14 =	vld [tilespmem:s19+$0x8420]  }
0x160: {  	v6 =	vmul.f32 v4, v6;
	v15 =	vld [tilespmem:s19+$0x4430];
	v8 =	vadd.f32 v8, v9  }
.Ltmp2:
0x161: {  	v12 =	vmul.f32 v7, v3;
	v9 =	vld [tilespmem:s19+$0x8430];
	(pc) =	sbr.rel @p0 .LBB2_6-.Ltmp2, $4  }
0x162: {  	v6 =	vadd.f32 v6, v5;
	v10 =	vmul.f32 v10, v4;
	v7 =	vld [tilespmem:s19+$0x4440];
	[tilespmem:s19+$0x4470] =	vst v8  }
0x163: {  	v11 =	vmul.f32 v13, v3;
	v5 =	vld [tilespmem:s19+$0x8440]  }
0x164: {  	[tilespmem:s19+$0x4400] =	vst v6;
	v12 =	vadd.f32 v10, v12;
	v13 =	vmul.f32 v14, v4;
	v6 =	vld [tilespmem:s19+$0x4450]  }
0x165: {  	v10 =	vmul.f32 v15, v3;
	v8 =	vld [tilespmem:s19+$0x8450]  }
0x166: {  	v14 =	vld [tilespmem:s19+$0x4460]  }
0x167: {  	v15 =	vld [tilespmem:s19+$0x8460];
	_ =	sdelay $0x1  }
0x168: {  	v9 =	vmul.f32 v9, v4  }
0x169: {  	v11 =	vadd.f32 v13, v11;
	v7 =	vmul.f32 v7, v3;
	v5 =	vmul.f32 v5, v4  }
0x16a: {  	[tilespmem:s19+$0x4410] =	vst v12;
	v9 =	vadd.f32 v9, v10;
	v6 =	vmul.f32 v6, v3;
	v8 =	vmul.f32 v8, v4  }
0x16b: {  	[tilespmem:s19+$0x4420] =	vst v11;
	v5 =	vadd.f32 v5, v7;
	v3 =	vmul.f32 v14, v3;
	v4 =	vmul.f32 v15, v4  }
0x16c: {  	[tilespmem:s19+$0x4430] =	vst v9;
	v6 =	vadd.f32 v8, v6  }
0x16d: {  	[tilespmem:s19+$0x4440] =	vst v5;
	v3 =	vadd.f32 v4, v3  }
0x16e: {  	[tilespmem:s19+$0x4450] =	vst v6  }
0x16f: {  	[tilespmem:s19+$0x4460] =	vst v3  }
0x170: {  	s19 =	simm.s32 $0x0;
	s5 =	rddreg [dreg:$0x8]  }
0x171: {  	[hbm4b:s5+s19] =	stream.linear.scatter [tilespmem:s20], [sflag:$0x3], $0x4000, $0x38;
	[tilespmem:$0x14400] =	vst v63  }
0x172: {  	_ =	swait.ge [sflag:s0], $0x4000  }
0x173: {  	[sflag:s0] =	ssyncset.done $0x0  }
0x174: {  	[sflag:s0] =	ssyncadd.s32 $0xFFFFC000  }
0x175: {  	_ =	swait.ge [sflag:s0], $0x4000  }
0x176: {  	s7 =	sand.u32 $0x1C00, s19;
	s5 =	simm.s32 $0x0;
	[sflag:s0] =	ssyncset.done $0x0  }
0x177: {  	s21 =	sand.u32 $0x780, s19;
	s6 =	sand.u32 $0x2000, s5;
	[sflag:s0] =	ssyncadd.s32 $0xFFFFC000  }
0x178: {  	s22 =	sand.u32 $0x380, s19;
	s6 =	sor.u32 s6, s7;
	v3 =	vld [tilespmem:s21+$0x1C00]  }
0x179: {  	s18 =	sor.u32 s22, s6;
	v4 =	vld [tilespmem:s21+$0x3C00]  }
0x17a: {  	v5 =	vld [tilespmem:s18+$0xC470]  }
0x17b: {  	v6 =	vld [tilespmem:s18+$0x10470]  }
0x17c: {  	v7 =	vld [tilespmem:s18+$0xC400]  }
0x17d: {  	v8 =	vld [tilespmem:s18+$0x10400]  }
0x17e: {  	v10 =	vld [tilespmem:s18+$0xC410]  }
0x17f: {  	v11 =	vld [tilespmem:s18+$0x10410]  }
0x180: {  	v12 =	vld [tilespmem:s18+$0xC420]  }
0x181: {  	v13 =	vld [tilespmem:s18+$0x10420];
	v5 =	vmul.f32 v5, v3;
	v6 =	vmul.f32 v6, v4  }
0x182: {  	v14 =	vld [tilespmem:s18+$0xC430];
	v15 =	vmul.f32 v3, v7;
	v8 =	vmul.f32 v4, v8  }
0x183: {  	v9 =	vld [tilespmem:s18+$0x10430];
	v10 =	vmul.f32 v10, v3  }
0x184: {  	v7 =	vld [tilespmem:s18+$0xC440];
	v6 =	vadd.f32 v6, v5;
	v8 =	vadd.f32 v8, v15;
	v15 =	vmul.f32 v11, v4  }
0x185: {  	v5 =	vld [tilespmem:s18+$0x10440]  }
0x186: {  	v13 =	vmul.f32 v13, v4;
	v11 =	vmul.f32 v12, v3;
	[tilespmem:s18+$0xC470] =	vst v6;
	v6 =	vld [tilespmem:s18+$0xC450];
	v12 =	vadd.f32 v15, v10  }
0x187: {  	s6 =	simm.s32 $0x0;
	[tilespmem:s18+$0xC400] =	vst v8;
	v10 =	vmul.f32 v14, v3;
	v8 =	vld [tilespmem:s18+$0x10450]  }
.LBB2_8:
0x188: {  	s5 =	sadd.s32 $0x80, s5;
	[tilespmem:s18+$0xC410] =	vst v12;
	v11 =	vadd.f32 v13, v11;
	v9 =	vmul.f32 v9, v4;
	v12 =	vld [tilespmem:s18+$0xC460];
	s19 =	sadd.s32 $0x400, s19;
	s6 =	sadd.s32 $0x10, s6  }
0x189: {  	s7 =	sand.u32 $0x2000, s5;
	s21 =	sand.u32 $0x1C00, s19;
	s22 =	sand.u32 $0x780, s6;
	v7 =	vmul.f32 v7, v3;
	v13 =	vld [tilespmem:s18+$0x10460]  }
0x18a: {  	p0 =	slt.u32 s5, $0x3F80;
	s7 =	sor.u32 s7, s21;
	s21 =	sand.u32 $0x380, s6;
	v14 =	vld [tilespmem:s22+$0x1C00];
	[tilespmem:s18+$0xC420] =	vst v11;
	v9 =	vadd.f32 v9, v10;
	v5 =	vmul.f32 v5, v4  }
0x18b: {  	s7 =	sor.u32 s21, s7;
	v10 =	vld [tilespmem:s22+$0x3C00];
	v6 =	vmul.f32 v6, v3  }
0x18c: {  	v11 =	vld [tilespmem:s7+$0xC470];
	[tilespmem:s18+$0xC430] =	vst v9;
	v5 =	vadd.f32 v5, v7;
	v7 =	vmul.f32 v8, v4  }
0x18d: {  	v8 =	vld [tilespmem:s7+$0x10470];
	v9 =	vmul.f32 v12, v3  }
0x18e: {  	v12 =	vld [tilespmem:s7+$0xC400];
	[tilespmem:s18+$0xC440] =	vst v5;
	v5 =	vadd.f32 v7, v6;
	v13 =	vmul.f32 v13, v4  }
0x18f: {  	v6 =	vld [tilespmem:s7+$0x10400];
	v3 =	vmov v14  }
0x190: {  	v7 =	vld [tilespmem:s7+$0xC410];
	[tilespmem:s18+$0xC450] =	vst v5;
	v5 =	vadd.f32 v13, v9;
	v4 =	vmov v10  }
0x191: {  	v10 =	vld [tilespmem:s7+$0x10410]  }
0x192: {  	v9 =	vmul.f32 v11, v3;
	v13 =	vld [tilespmem:s7+$0xC420];
	v8 =	vmul.f32 v8, v4;
	[tilespmem:s18+$0xC460] =	vst v5;
	s18 =	smov.u32 s7  }
0x193: {  	v5 =	vmul.f32 v3, v12;
	v14 =	vld [tilespmem:s18+$0x10420]  }
0x194: {  	v6 =	vmul.f32 v4, v6;
	v15 =	vld [tilespmem:s18+$0xC430];
	v8 =	vadd.f32 v8, v9  }
.Ltmp3:
0x195: {  	v12 =	vmul.f32 v7, v3;
	v9 =	vld [tilespmem:s18+$0x10430];
	(pc) =	sbr.rel @p0 .LBB2_8-.Ltmp3, $4  }
0x196: {  	v6 =	vadd.f32 v6, v5;
	v10 =	vmul.f32 v10, v4;
	v7 =	vld [tilespmem:s18+$0xC440];
	[tilespmem:s18+$0xC470] =	vst v8  }
0x197: {  	v11 =	vmul.f32 v13, v3;
	v5 =	vld [tilespmem:s18+$0x10440]  }
0x198: {  	[tilespmem:s18+$0xC400] =	vst v6;
	v12 =	vadd.f32 v10, v12;
	v13 =	vmul.f32 v14, v4;
	v6 =	vld [tilespmem:s18+$0xC450]  }
0x199: {  	v10 =	vmul.f32 v15, v3;
	v8 =	vld [tilespmem:s18+$0x10450]  }
0x19a: {  	v14 =	vld [tilespmem:s18+$0xC460]  }
0x19b: {  	v15 =	vld [tilespmem:s18+$0x10460];
	_ =	sdelay $0x1  }
0x19c: {  	v9 =	vmul.f32 v9, v4  }
0x19d: {  	v11 =	vadd.f32 v13, v11;
	v7 =	vmul.f32 v7, v3;
	v5 =	vmul.f32 v5, v4  }
0x19e: {  	[tilespmem:s18+$0xC410] =	vst v12;
	v9 =	vadd.f32 v9, v10;
	v6 =	vmul.f32 v6, v3;
	v8 =	vmul.f32 v8, v4  }
0x19f: {  	[tilespmem:s18+$0xC420] =	vst v11;
	v5 =	vadd.f32 v5, v7;
	v3 =	vmul.f32 v14, v3;
	v63 =	vmul.f32 v15, v4  }
0x1a0: {  	[tilespmem:s18+$0xC430] =	vst v9;
	v6 =	vadd.f32 v8, v6  }
0x1a1: {  	[tilespmem:s18+$0xC440] =	vst v5;
	v3 =	vadd.f32 v63, v3  }
0x1a2: {  	[tilespmem:s18+$0xC450] =	vst v6  }
0x1a3: {  	[tilespmem:s18+$0xC460] =	vst v3  }
0x1a4: {  	s5 =	rddreg [dreg:$0x9]  }
0x1a5: {  	[hbm4b:s5+s1] =	stream.linear.scatter [tilespmem:s4], [sflag:$0x4], $0x4000, $0x38;
	[tilespmem:$0x14400] =	vst v63  }
0x1a6: {  	_ =	swait.ge [sflag:s31], $0x4000  }
0x1a7: {  	[sflag:s31] =	ssyncset.done $0x0  }
0x1a8: {  	[sflag:s31] =	ssyncadd.s32 $0xFFFFC000  }
0x1a9: {  	_ =	swait.ge [sflag:s2], $0x4000  }
0x1aa: {  	s17 =	sadd.s32 $0x1, s17;
	s22 =	rddreg [dreg:$0xa]  }
0x1ab: {  	p0 =	sne.s32 s17, s22  }
.Ltmp4:
0x1ac: {  	_ = 	snop;
	(pc) =	sbr.rel @p0 .LBB2_1-.Ltmp4, $3  }
0x1ad: {  	_ =	sdelay $0x1  }
0x1ae: {  	[sflag:s2] =	ssyncset.done $0x0  }
0x1af: {  	[sflag:s2] =	ssyncadd.s32 $0xFFFFC000  }
0x1b0: {  	_ =	sfence.sel $0x180000  }
0x1b1: {  	[bflag:$0x0] =	sbarrier.arrive $0xFFFF  }
0x1b2: {  	_ =	strace $0x9000004A  }
0x1b3: {  	s0 =	stileid.u32;
	[bflag:$0x2] =	sbarrier.arrive $0xFFFF  }
0x1b4: {  	p0 =	sne.s32 s0, $0x0;
	s0 =	rddreg [dreg:$0x2]  }
0x1b5: {  	s0 =	sadd.s32 @!p0 $0x100000, s0  }
0x1b6: {  	[sflag:s0] =	ssyncadd.tile.s32 @!p0 $0x1;
	_ =	shalt  }
.Lfunc_end2:
_tile_overlayer_lowered:
.L_overlay_start_2:
0x1b7: {  	(tag) =	ssettag $0x2  }
0x1b8: {  	s0 =	rddreg [dreg:$0x0];
	s2 =	stileid.u32  }
0x1b9: {  	s1 =	rddreg [dreg:$0x1];
	p0 =	sne.s32 s2, $0x0  }
0x1ba: {  	s3 =	rddreg [dreg:$0x2];
	[bflag:$0x3] =	sbarrier.arrive $0xFFFF;
	s2 =	simm.s32 @!p0 $0x1C05  }
0x1bb: {  	[timem:s3], [sflag:s2] =	dma.local @!p0 [hbm:s0], s1  }
0x1bc: {  	s0 =	simm.s32 @!p0 $0x5  }
0x1bd: {  	_ =	swait.ge @!p0 [sflag:s0], s1  }
0x1be: {  	s1 =	ssub.s32 @!p0 $0x0, s1;
	[sflag:s0] =	ssyncset.done @!p0 $0x0  }
0x1bf: {  	[sflag:s0] =	ssyncadd.s32 @!p0 s1  }
0x1c0: {  	[bflag:$0x3] =	sbarrier.arrive $0xFFFF  }
0x1c1: {  	_ =	shalt  }

</sc_bundles>
